<compile_context>
chip_gen: v7x
topology: tpu7x:2x2x1
jax: 0.10.2.dev20260603
libtpu: 0.0.44.dev20260713+nightly
codegen_flags: <defaults>
</compile_context>

<pallas_src>
import functools

import jax
import jax.numpy as jnp
from jax import lax
from jax.experimental import pallas as pl
from jax.experimental.pallas import tpu as pltpu
from jax.experimental.pallas import tpu_sc as plsc

N = 16384
D = 256
H = 128
G = 3 * H
OUT = 256
DS = 2048
C_STEPS = 32
XT_ROWS = C_STEPS * DS + 8
TRASH = C_STEPS * DS

NC, NS = 2, 16
NW = NC * NS
ROWS_PER_W = N // NW
KCH = 128


def _gi_body(m_ref, w_ref, b_ref, o_ref):
    o_ref[...] = jnp.dot(m_ref[...], w_ref[...],
                         preferred_element_type=jnp.float32) + b_ref[...]


_gi_call = pl.pallas_call(
    _gi_body,
    grid=(N // 2048,),
    in_specs=[pl.BlockSpec((2048, D), lambda i: (i, 0)),
              pl.BlockSpec((D, G), lambda i: (0, 0)),
              pl.BlockSpec((1, G), lambda i: (0, 0))],
    out_specs=pl.BlockSpec((2048, G), lambda i: (i, 0)),
    out_shape=jax.ShapeDtypeStruct((N, G), jnp.float32),
)


NCH = ROWS_PER_W // KCH


@functools.cache
def _make_sc_gs():
    mesh = plsc.VectorSubcoreMesh(core_axis_name="c", subcore_axis_name="s",
                                  num_cores=NC, num_subcores=NS)

    @functools.partial(
        pl.kernel,
        out_type=jax.ShapeDtypeStruct((XT_ROWS, G), jnp.float32),
        mesh=mesh,
        scratch_types=[pltpu.VMEM((NCH, KCH), jnp.int32),
                       pltpu.VMEM((NCH, KCH), jnp.int32),
                       pltpu.VMEM((2, KCH, G), jnp.float32),
                       pltpu.SemaphoreType.DMA,
                       pltpu.SemaphoreType.DMA,
                       pltpu.SemaphoreType.DMA,
                       pltpu.SemaphoreType.DMA],
    )
    def sc_gs(gi_hbm, src_hbm, dst_hbm, xt_hbm, srcm, dstm, rows,
              sg0, sg1, ss0, ss1):
        wid = lax.axis_index("s") * NC + lax.axis_index("c")
        sg = (sg0, sg1)
        ss = (ss0, ss1)
        pltpu.sync_copy(src_hbm.at[wid], srcm)
        pltpu.sync_copy(dst_hbm.at[wid], dstm)
        gathers = [None] * NCH
        scatters = [None] * NCH
        gathers[0] = pltpu.async_copy(gi_hbm.at[srcm.at[0]], rows.at[0],
                                      sg[0])
        for c in range(NCH):
            b = c % 2
            nb = (c + 1) % 2
            if c + 1 < NCH:
                if c >= 1:
                    scatters[c - 1].wait()
                gathers[c + 1] = pltpu.async_copy(
                    gi_hbm.at[srcm.at[c + 1]], rows.at[nb], sg[nb])
            gathers[c].wait()
            scatters[c] = pltpu.async_copy(rows.at[b], xt_hbm.at[dstm.at[c]],
                                           ss[b])
        scatters[NCH - 2].wait()
        scatters[NCH - 1].wait()

    return sc_gs


def _rec_body(scal_ref, xt_hbm, counts_ref, h_ref, whht_ref, wmlpt_ref,
              bih_ref, bhh_ref, bmlp_ref, hout_ref, out_ref, xt_buf, sems):
    nsteps = scal_ref[0]
    t0 = scal_ref[1]
    dimsz = scal_ref[2]
    counts = counts_ref[...]
    whht = whht_ref[...]
    bih = bih_ref[...]
    bhh = bhh_ref[...]

    def _copy(tau, slot):
        return pltpu.make_async_copy(
            xt_hbm.at[pl.ds(tau * DS, DS), :], xt_buf.at[slot], sems.at[slot])

    _copy(0, 0).start()

    def step(tau, h):
        slot = tau % 2

        @pl.when(tau + 1 < nsteps)
        def _():
            _copy(tau + 1, (tau + 1) % 2).start()

        gh = jnp.dot(h, whht, preferred_element_type=jnp.float32) + bhh
        _copy(tau, slot).wait()
        xt = xt_buf[slot]
        gi = jnp.where((t0 + tau) < counts, xt, bih)
        r = jax.nn.sigmoid(gi[:, 0:H] + gh[:, 0:H])
        z = jax.nn.sigmoid(gi[:, H:2 * H] + gh[:, H:2 * H])
        n = jnp.tanh(gi[:, 2 * H:] + r * gh[:, 2 * H:])
        return (1.0 - z) * n + z * h

    h = lax.fori_loop(0, nsteps, step, h_ref[...])
    hout_ref[...] = h
    o = jnp.dot(h, wmlpt_ref[...], preferred_element_type=jnp.float32) \
        + bmlp_ref[...]
    row = lax.broadcasted_iota(jnp.int32, (DS, 1), 0)
    keep = (counts > 0) & (row < dimsz)
    out_ref[...] = jnp.where(keep, o, 0.0)


_rec_call = pl.pallas_call(
    _rec_body,
    in_specs=[pl.BlockSpec(memory_space=pltpu.SMEM),
              pl.BlockSpec(memory_space=pl.ANY),
              pl.BlockSpec(memory_space=pltpu.VMEM),
              pl.BlockSpec(memory_space=pltpu.VMEM),
              pl.BlockSpec(memory_space=pltpu.VMEM),
              pl.BlockSpec(memory_space=pltpu.VMEM),
              pl.BlockSpec(memory_space=pltpu.VMEM),
              pl.BlockSpec(memory_space=pltpu.VMEM),
              pl.BlockSpec(memory_space=pltpu.VMEM)],
    out_specs=[pl.BlockSpec(memory_space=pltpu.VMEM),
               pl.BlockSpec(memory_space=pltpu.VMEM)],
    out_shape=[jax.ShapeDtypeStruct((DS, H), jnp.float32),
               jax.ShapeDtypeStruct((DS, OUT), jnp.float32)],
    scratch_shapes=[pltpu.VMEM((2, DS, G), jnp.float32),
                    pltpu.SemaphoreType.DMA((2,))],
)


def kernel(msg, index, t, dim_size, Wih, Whh, bih, bhh, Wmlp, bmlp):
    index = index.astype(jnp.int32)
    ar = jnp.arange(N, dtype=jnp.int32)
    idx_g, _, gorder = lax.sort((index, t, ar), num_keys=2, is_stable=True)
    flag = jnp.concatenate([jnp.ones((1,), jnp.bool_), idx_g[1:] != idx_g[:-1]])
    starts = lax.cummax(jnp.where(flag, ar, 0))
    pos_g = ar - starts
    counts = jnp.bincount(index, length=DS).astype(jnp.int32)
    max_len = pos_g.max() + 1

    gi = _gi_call(msg, Wih.T, bih.reshape(1, G))

    counts2 = counts.reshape(DS, 1)
    whht = Whh.T
    wmlpt = Wmlp.T
    bih2 = bih.reshape(1, G)
    bhh2 = bhh.reshape(1, G)
    bmlp2 = bmlp.reshape(1, OUT)
    dimsz = jnp.asarray(dim_size, jnp.int32)

    def cond(carry):
        t0, _, _ = carry
        return t0 < max_len

    def body(carry):
        t0, h, _ = carry
        in_chunk = (pos_g >= t0) & (pos_g < t0 + C_STEPS)
        dst = jnp.where(in_chunk, (pos_g - t0) * DS + idx_g, TRASH)
        xt = _make_sc_gs()(gi, gorder.reshape(NW, NCH, KCH),
                           dst.reshape(NW, NCH, KCH))
        nsteps = jnp.minimum(max_len - t0, C_STEPS)
        scal = jnp.stack([nsteps, t0, dimsz]).astype(jnp.int32)
        h, out = _rec_call(scal, xt, counts2, h, whht, wmlpt,
                           bih2, bhh2, bmlp2)
        return (t0 + C_STEPS, h, out)

    carry0 = (jnp.int32(0), jnp.zeros((DS, H), jnp.float32),
              jnp.zeros((DS, OUT), jnp.float32))
    _, _, out = lax.while_loop(cond, body, carry0)
    return out

# --- scband reference (transcript-rebuilt; emitter-appended) ---
"""Pipeline reference for scband-rnnaggregator-52819507806822 (READ-ONLY COPY).

The authoritative reference and input builder live on the scoring server;
editing this copy changes nothing except your own understanding.
"""

import jax, jax.numpy as jnp
import numpy as np


def setup_inputs(seed: int = 0) -> dict:
    N, D, H, OUT, DS = 16384, 256, 128, 256, 2048
    key = jax.random.key(seed)
    ks = jax.random.split(key, 9)
    msg = jax.random.normal(ks[0], (N, D), dtype=jnp.float32)
    index = jax.random.randint(ks[1], (N,), 0, DS)
    t = jax.random.uniform(ks[2], (N,), dtype=jnp.float32)
    s = 1.0 / np.sqrt(H)
    u = lambda k, shape: jax.random.uniform(k, shape, dtype=jnp.float32, minval=-s, maxval=s)
    Wih = u(ks[3], (3 * H, D))
    Whh = u(ks[4], (3 * H, H))
    bih = u(ks[5], (3 * H,))
    bhh = u(ks[6], (3 * H,))
    Wmlp = u(ks[7], (OUT, H))
    bmlp = u(ks[8], (OUT,))
    return {"msg": msg, "index": index, "t": t, "dim_size": DS,
            "Wih": Wih, "Whh": Whh, "bih": bih, "bhh": bhh,
            "Wmlp": Wmlp, "bmlp": bmlp}


def reference(msg, index, t, dim_size, Wih, Whh, bih, bhh, Wmlp, bmlp):
    N, D = msg.shape
    H = Whh.shape[1]
    DS = 2048
    # 1) sort messages by timestamp (as torch.sort(t)[1])
    order = jnp.argsort(t)
    index_s = index[order]
    msg_s = msg[order]
    # 2) group messages by destination node, preserving time order (get_indices)
    #    stable sort by node id via composite key
    key2 = index_s.astype(jnp.int32) * N + jnp.arange(N, dtype=jnp.int32)
    perm = jnp.argsort(key2)
    idx_g = index_s[perm]
    starts = jnp.searchsorted(idx_g, idx_g, side='left')
    pos_g = jnp.arange(N, dtype=jnp.int32) - starts.astype(jnp.int32)
    pos = jnp.zeros((N,), dtype=jnp.int32).at[perm].set(pos_g)
    counts = jnp.bincount(index_s, length=DS)
    max_len = counts.max()
    # 3) pad_sequence equivalent: [max_len, dim_size, D], zeros beyond each group's length
    # 4) single-layer GRU (torch gate order: r, z, n), zero initial hidden.
    #    Like torch with unpacked pad_sequence, padding zeros ARE processed by the GRU.
    def step(h, x_t):
        gi = x_t @ Wih.T + bih
        gh = h @ Whh.T + bhh
        i_r, i_z, i_n = jnp.split(gi, 3, axis=-1)
        h_r, h_z, h_n = jnp.split(gh, 3, axis=-1)
        r = jax.nn.sigmoid(i_r + h_r)
        z = jax.nn.sigmoid(i_z + h_z)
        n = jnp.tanh(i_n + r * h_n)
        h_new = (1.0 - z) * n + z * h
        return h_new, None

    def body(tstep, h):
        idx_t = jnp.where(pos == tstep, index_s, DS)
        x_t = jnp.zeros((DS, D), dtype=msg.dtype).at[idx_t].set(msg_s, mode='drop')
        h_new, _ = step(h, x_t)
        return h_new

    h0 = jnp.zeros((DS, H), dtype=msg.dtype)
    hn = jax.lax.fori_loop(0, max_len, body, h0)
    # 5) MLP head, scatter into out only for nodes that received messages
    out_nodes = hn @ Wmlp.T + bmlp
    keep = (counts > 0) & (jnp.arange(DS) < dim_size)
    out = jnp.where(keep[:, None], out_nodes, jnp.zeros_like(out_nodes))
    return out

if __name__ == "__main__":
    import jax
    _d = setup_inputs()
    print(jax.jit(kernel)(*tuple(_d.values())))

</pallas_src>

<mosaic_0001>
#map = affine_map<(d0, d1) -> (0, 0)>
#map1 = affine_map<(d0, d1) -> (0, 0, 0)>
module attributes {stable_mosaic.version = 14 : i64} {
  func.func @sc_gs(%arg0: i32, %arg1: i32, %arg2: memref<16384x384xf32, #tpu.memory_space<hbm>>, %arg3: memref<32x4x128xi32, #tpu.memory_space<hbm>>, %arg4: memref<32x4x128xi32, #tpu.memory_space<hbm>>, %arg5: memref<65544x384xf32, #tpu.memory_space<hbm>>, %arg6: memref<4x128xi32, #tpu.memory_space<vmem>>, %arg7: memref<4x128xi32, #tpu.memory_space<vmem>>, %arg8: memref<2x128x384xf32, #tpu.memory_space<vmem>>, %arg9: memref<!tpu.dma_semaphore, #tpu.memory_space<semaphore_mem>>, %arg10: memref<!tpu.dma_semaphore, #tpu.memory_space<semaphore_mem>>, %arg11: memref<!tpu.dma_semaphore, #tpu.memory_space<semaphore_mem>>, %arg12: memref<!tpu.dma_semaphore, #tpu.memory_space<semaphore_mem>>) attributes {dimension_semantics = [#tpu.dimension_semantics<core_parallel>, #tpu.dimension_semantics<subcore_parallel>], iteration_bounds = array<i64: 2, 16>, scalar_prefetch = 0 : i64, scratch_operands = 7 : i64, tpu.core_type = #tpu.core_type<sc_vector_subcore>, window_params = [{transform_indices = #map}, {transform_indices = #map1}, {transform_indices = #map1}, {transform_indices = #map}]} {
    %mul3A = arith.constant 2 : i32
    %mul3A_0 = arith.muli %arg1, %mul3A : i32
    %add3A = arith.addi %mul3A_0, %arg0 : i32
    "tpu.region"() ({
      %run_scoped3A = tpu.sem_alloc : memref<!tpu.dma_semaphore, #tpu.memory_space<semaphore_mem>>
      %dma_start3A_191 = arith.constant 0 : i32
      %dma_start3A_192 = arith.constant 0 : i32
      %dma_start3A_193 = tpu.memref_slice %arg3[%add3A, %dma_start3A_191, %dma_start3A_192] : memref<32x4x128xi32, #tpu.memory_space<hbm>> -> memref<1x4x128xi32, #tpu.memory_space<hbm>>
      %dma_start3A_194 = tpu.memref_squeeze %dma_start3A_193 : memref<1x4x128xi32, #tpu.memory_space<hbm>> -> memref<4x128xi32, #tpu.memory_space<hbm>>
      %dma_start3A_195 = arith.constant 0 : i32
      %dma_start3A_196 = arith.constant 0 : i32
      %dma_start3A_197 = tpu.memref_slice %arg3[%add3A, %dma_start3A_195, %dma_start3A_196] : memref<32x4x128xi32, #tpu.memory_space<hbm>> -> memref<1x4x128xi32, #tpu.memory_space<hbm>>
      %dma_start3A_198 = tpu.memref_squeeze %dma_start3A_197 : memref<1x4x128xi32, #tpu.memory_space<hbm>> -> memref<4x128xi32, #tpu.memory_space<hbm>>
      tpu.enqueue_dma source(%dma_start3A_198 : memref<4x128xi32, #tpu.memory_space<hbm>>) target(%arg6 : memref<4x128xi32, #tpu.memory_space<vmem>>) target_semaphore(%run_scoped3A : memref<!tpu.dma_semaphore, #tpu.memory_space<semaphore_mem>>)
      %dma_wait3A_199 = arith.constant 0 : i32
      %dma_wait3A_200 = arith.constant 0 : i32
      %dma_wait3A_201 = tpu.memref_slice %arg3[%add3A, %dma_wait3A_199, %dma_wait3A_200] : memref<32x4x128xi32, #tpu.memory_space<hbm>> -> memref<1x4x128xi32, #tpu.memory_space<hbm>>
      %dma_wait3A_202 = tpu.memref_squeeze %dma_wait3A_201 : memref<1x4x128xi32, #tpu.memory_space<hbm>> -> memref<4x128xi32, #tpu.memory_space<hbm>>
      %dma_wait3A_203 = arith.constant 0 : i32
      %dma_wait3A_204 = arith.constant 0 : i32
      %dma_wait3A_205 = tpu.memref_slice %arg3[%add3A, %dma_wait3A_203, %dma_wait3A_204] : memref<32x4x128xi32, #tpu.memory_space<hbm>> -> memref<1x4x128xi32, #tpu.memory_space<hbm>>
      %dma_wait3A_206 = tpu.memref_squeeze %dma_wait3A_205 : memref<1x4x128xi32, #tpu.memory_space<hbm>> -> memref<4x128xi32, #tpu.memory_space<hbm>>
      tpu.wait_dma2 semaphore(%run_scoped3A : memref<!tpu.dma_semaphore, #tpu.memory_space<semaphore_mem>>) src(%dma_wait3A_206 : memref<4x128xi32, #tpu.memory_space<hbm>>) dst(%arg6 : memref<4x128xi32, #tpu.memory_space<vmem>>)
      tpu.yield
    }) : () -> ()
    "tpu.region"() ({
      %run_scoped3A = tpu.sem_alloc : memref<!tpu.dma_semaphore, #tpu.memory_space<semaphore_mem>>
      %dma_start3A_191 = arith.constant 0 : i32
      %dma_start3A_192 = arith.constant 0 : i32
      %dma_start3A_193 = tpu.memref_slice %arg4[%add3A, %dma_start3A_191, %dma_start3A_192] : memref<32x4x128xi32, #tpu.memory_space<hbm>> -> memref<1x4x128xi32, #tpu.memory_space<hbm>>
      %dma_start3A_194 = tpu.memref_squeeze %dma_start3A_193 : memref<1x4x128xi32, #tpu.memory_space<hbm>> -> memref<4x128xi32, #tpu.memory_space<hbm>>
      %dma_start3A_195 = arith.constant 0 : i32
      %dma_start3A_196 = arith.constant 0 : i32
      %dma_start3A_197 = tpu.memref_slice %arg4[%add3A, %dma_start3A_195, %dma_start3A_196] : memref<32x4x128xi32, #tpu.memory_space<hbm>> -> memref<1x4x128xi32, #tpu.memory_space<hbm>>
      %dma_start3A_198 = tpu.memref_squeeze %dma_start3A_197 : memref<1x4x128xi32, #tpu.memory_space<hbm>> -> memref<4x128xi32, #tpu.memory_space<hbm>>
      tpu.enqueue_dma source(%dma_start3A_198 : memref<4x128xi32, #tpu.memory_space<hbm>>) target(%arg7 : memref<4x128xi32, #tpu.memory_space<vmem>>) target_semaphore(%run_scoped3A : memref<!tpu.dma_semaphore, #tpu.memory_space<semaphore_mem>>)
      %dma_wait3A_199 = arith.constant 0 : i32
      %dma_wait3A_200 = arith.constant 0 : i32
      %dma_wait3A_201 = tpu.memref_slice %arg4[%add3A, %dma_wait3A_199, %dma_wait3A_200] : memref<32x4x128xi32, #tpu.memory_space<hbm>> -> memref<1x4x128xi32, #tpu.memory_space<hbm>>
      %dma_wait3A_202 = tpu.memref_squeeze %dma_wait3A_201 : memref<1x4x128xi32, #tpu.memory_space<hbm>> -> memref<4x128xi32, #tpu.memory_space<hbm>>
      %dma_wait3A_203 = arith.constant 0 : i32
      %dma_wait3A_204 = arith.constant 0 : i32
      %dma_wait3A_205 = tpu.memref_slice %arg4[%add3A, %dma_wait3A_203, %dma_wait3A_204] : memref<32x4x128xi32, #tpu.memory_space<hbm>> -> memref<1x4x128xi32, #tpu.memory_space<hbm>>
      %dma_wait3A_206 = tpu.memref_squeeze %dma_wait3A_205 : memref<1x4x128xi32, #tpu.memory_space<hbm>> -> memref<4x128xi32, #tpu.memory_space<hbm>>
      tpu.wait_dma2 semaphore(%run_scoped3A : memref<!tpu.dma_semaphore, #tpu.memory_space<semaphore_mem>>) src(%dma_wait3A_206 : memref<4x128xi32, #tpu.memory_space<hbm>>) dst(%arg7 : memref<4x128xi32, #tpu.memory_space<vmem>>)
      tpu.yield
    }) : () -> ()
    %dma_start3A = arith.constant 0 : i32
    %dma_start3A_1 = arith.constant 0 : i32
    %dma_start3A_2 = arith.constant 0 : i32
    %dma_start3A_3 = arith.constant 0 : i32
    %dma_start3A_4 = tpu.memref_slice %arg8[%dma_start3A_1, %dma_start3A_2, %dma_start3A_3] : memref<2x128x384xf32, #tpu.memory_space<vmem>> -> memref<1x128x384xf32, #tpu.memory_space<vmem>>
    %dma_start3A_5 = tpu.memref_squeeze %dma_start3A_4 : memref<1x128x384xf32, #tpu.memory_space<vmem>> -> memref<128x384xf32, #tpu.memory_space<vmem>>
    %dma_start3A_6 = arith.constant 0 : i32
    %dma_start3A_7 = tpu.memref_slice %arg6[%dma_start3A, %dma_start3A_6] : memref<4x128xi32, #tpu.memory_space<vmem>> -> memref<1x128xi32, #tpu.memory_space<vmem>>
    %dma_start3A_8 = tpu.memref_squeeze %dma_start3A_7 : memref<1x128xi32, #tpu.memory_space<vmem>> -> memref<128xi32, #tpu.memory_space<vmem>>
    %dma_start3A_9 = arith.constant 0 : i32
    %dma_start3A_10 = arith.constant 0 : i32
    %dma_start3A_11 = tpu.memref_slice %arg2[%dma_start3A_9, %dma_start3A_10] : memref<16384x384xf32, #tpu.memory_space<hbm>> -> memref<16384x384xf32, #tpu.memory_space<hbm>>
    tpu.enqueue_indirect_dma source(%dma_start3A_11 : memref<16384x384xf32, #tpu.memory_space<hbm>>) target(%dma_start3A_5 : memref<128x384xf32, #tpu.memory_space<vmem>>) offsets(%dma_start3A_8 : memref<128xi32, #tpu.memory_space<vmem>>) semaphore(%arg9 : memref<!tpu.dma_semaphore, #tpu.memory_space<semaphore_mem>>)
    %dma_start3A_12 = arith.constant 1 : i32
    %dma_start3A_13 = arith.constant 1 : i32
    %dma_start3A_14 = arith.constant 0 : i32
    %dma_start3A_15 = arith.constant 0 : i32
    %dma_start3A_16 = tpu.memref_slice %arg8[%dma_start3A_13, %dma_start3A_14, %dma_start3A_15] : memref<2x128x384xf32, #tpu.memory_space<vmem>> -> memref<1x128x384xf32, #tpu.memory_space<vmem>>
    %dma_start3A_17 = tpu.memref_squeeze %dma_start3A_16 : memref<1x128x384xf32, #tpu.memory_space<vmem>> -> memref<128x384xf32, #tpu.memory_space<vmem>>
    %dma_start3A_18 = arith.constant 0 : i32
    %dma_start3A_19 = tpu.memref_slice %arg6[%dma_start3A_12, %dma_start3A_18] : memref<4x128xi32, #tpu.memory_space<vmem>> -> memref<1x128xi32, #tpu.memory_space<vmem>>
    %dma_start3A_20 = tpu.memref_squeeze %dma_start3A_19 : memref<1x128xi32, #tpu.memory_space<vmem>> -> memref<128xi32, #tpu.memory_space<vmem>>
    %dma_start3A_21 = arith.constant 0 : i32
    %dma_start3A_22 = arith.constant 0 : i32
    %dma_start3A_23 = tpu.memref_slice %arg2[%dma_start3A_21, %dma_start3A_22] : memref<16384x384xf32, #tpu.memory_space<hbm>> -> memref<16384x384xf32, #tpu.memory_space<hbm>>
    tpu.enqueue_indirect_dma source(%dma_start3A_23 : memref<16384x384xf32, #tpu.memory_space<hbm>>) target(%dma_start3A_17 : memref<128x384xf32, #tpu.memory_space<vmem>>) offsets(%dma_start3A_20 : memref<128xi32, #tpu.memory_space<vmem>>) semaphore(%arg10 : memref<!tpu.dma_semaphore, #tpu.memory_space<semaphore_mem>>)
    %dma_wait3A = arith.constant 0 : i32
    %dma_wait3A_24 = arith.constant 0 : i32
    %dma_wait3A_25 = arith.constant 0 : i32
    %dma_wait3A_26 = arith.constant 0 : i32
    %dma_wait3A_27 = tpu.memref_slice %arg8[%dma_wait3A_24, %dma_wait3A_25, %dma_wait3A_26] : memref<2x128x384xf32, #tpu.memory_space<vmem>> -> memref<1x128x384xf32, #tpu.memory_space<vmem>>
    %dma_wait3A_28 = tpu.memref_squeeze %dma_wait3A_27 : memref<1x128x384xf32, #tpu.memory_space<vmem>> -> memref<128x384xf32, #tpu.memory_space<vmem>>
    %dma_wait3A_29 = arith.constant 0 : i32
    %dma_wait3A_30 = tpu.memref_slice %arg6[%dma_wait3A, %dma_wait3A_29] : memref<4x128xi32, #tpu.memory_space<vmem>> -> memref<1x128xi32, #tpu.memory_space<vmem>>
    %dma_wait3A_31 = tpu.memref_squeeze %dma_wait3A_30 : memref<1x128xi32, #tpu.memory_space<vmem>> -> memref<128xi32, #tpu.memory_space<vmem>>
    %dma_wait3A_32 = arith.constant 0 : i32
    %dma_wait3A_33 = arith.constant 0 : i32
    %dma_wait3A_34 = tpu.memref_slice %arg2[%dma_wait3A_32, %dma_wait3A_33] : memref<16384x384xf32, #tpu.memory_space<hbm>> -> memref<16384x384xf32, #tpu.memory_space<hbm>>
    tpu.wait_indirect_dma semaphore(%arg9 : memref<!tpu.dma_semaphore, #tpu.memory_space<semaphore_mem>>) src(%dma_wait3A_34 : memref<16384x384xf32, #tpu.memory_space<hbm>>) dst(%dma_wait3A_28 : memref<128x384xf32, #tpu.memory_space<vmem>>)
    %dma_start3A_35 = arith.constant 0 : i32
    %dma_start3A_36 = arith.constant 0 : i32
    %dma_start3A_37 = arith.constant 0 : i32
    %dma_start3A_38 = arith.constant 0 : i32
    %dma_start3A_39 = tpu.memref_slice %arg8[%dma_start3A_35, %dma_start3A_37, %dma_start3A_38] : memref<2x128x384xf32, #tpu.memory_space<vmem>> -> memref<1x128x384xf32, #tpu.memory_space<vmem>>
    %dma_start3A_40 = tpu.memref_squeeze %dma_start3A_39 : memref<1x128x384xf32, #tpu.memory_space<vmem>> -> memref<128x384xf32, #tpu.memory_space<vmem>>
    %dma_start3A_41 = arith.constant 0 : i32
    %dma_start3A_42 = tpu.memref_slice %arg7[%dma_start3A_36, %dma_start3A_41] : memref<4x128xi32, #tpu.memory_space<vmem>> -> memref<1x128xi32, #tpu.memory_space<vmem>>
    %dma_start3A_43 = tpu.memref_squeeze %dma_start3A_42 : memref<1x128xi32, #tpu.memory_space<vmem>> -> memref<128xi32, #tpu.memory_space<vmem>>
    %dma_start3A_44 = arith.constant 0 : i32
    %dma_start3A_45 = arith.constant 0 : i32
    %dma_start3A_46 = tpu.memref_slice %arg5[%dma_start3A_44, %dma_start3A_45] : memref<65544x384xf32, #tpu.memory_space<hbm>> -> memref<65544x384xf32, #tpu.memory_space<hbm>>
    tpu.enqueue_indirect_dma source(%dma_start3A_40 : memref<128x384xf32, #tpu.memory_space<vmem>>) target(%dma_start3A_46 : memref<65544x384xf32, #tpu.memory_space<hbm>>) offsets(%dma_start3A_43 : memref<128xi32, #tpu.memory_space<vmem>>) semaphore(%arg11 : memref<!tpu.dma_semaphore, #tpu.memory_space<semaphore_mem>>)
    %dma_wait3A_47 = arith.constant 0 : i32
    %dma_wait3A_48 = arith.constant 0 : i32
    %dma_wait3A_49 = arith.constant 0 : i32
    %dma_wait3A_50 = arith.constant 0 : i32
    %dma_wait3A_51 = tpu.memref_slice %arg8[%dma_wait3A_47, %dma_wait3A_49, %dma_wait3A_50] : memref<2x128x384xf32, #tpu.memory_space<vmem>> -> memref<1x128x384xf32, #tpu.memory_space<vmem>>
    %dma_wait3A_52 = tpu.memref_squeeze %dma_wait3A_51 : memref<1x128x384xf32, #tpu.memory_space<vmem>> -> memref<128x384xf32, #tpu.memory_space<vmem>>
    %dma_wait3A_53 = arith.constant 0 : i32
    %dma_wait3A_54 = tpu.memref_slice %arg7[%dma_wait3A_48, %dma_wait3A_53] : memref<4x128xi32, #tpu.memory_space<vmem>> -> memref<1x128xi32, #tpu.memory_space<vmem>>
    %dma_wait3A_55 = tpu.memref_squeeze %dma_wait3A_54 : memref<1x128xi32, #tpu.memory_space<vmem>> -> memref<128xi32, #tpu.memory_space<vmem>>
    %dma_wait3A_56 = arith.constant 0 : i32
    %dma_wait3A_57 = arith.constant 0 : i32
    %dma_wait3A_58 = tpu.memref_slice %arg5[%dma_wait3A_56, %dma_wait3A_57] : memref<65544x384xf32, #tpu.memory_space<hbm>> -> memref<65544x384xf32, #tpu.memory_space<hbm>>
    tpu.wait_indirect_dma semaphore(%arg11 : memref<!tpu.dma_semaphore, #tpu.memory_space<semaphore_mem>>) src(%dma_wait3A_52 : memref<128x384xf32, #tpu.memory_space<vmem>>) dst(%dma_wait3A_58 : memref<65544x384xf32, #tpu.memory_space<hbm>>)
    %dma_start3A_59 = arith.constant 2 : i32
    %dma_start3A_60 = arith.constant 0 : i32
    %dma_start3A_61 = arith.constant 0 : i32
    %dma_start3A_62 = arith.constant 0 : i32
    %dma_start3A_63 = tpu.memref_slice %arg8[%dma_start3A_60, %dma_start3A_61, %dma_start3A_62] : memref<2x128x384xf32, #tpu.memory_space<vmem>> -> memref<1x128x384xf32, #tpu.memory_space<vmem>>
    %dma_start3A_64 = tpu.memref_squeeze %dma_start3A_63 : memref<1x128x384xf32, #tpu.memory_space<vmem>> -> memref<128x384xf32, #tpu.memory_space<vmem>>
    %dma_start3A_65 = arith.constant 0 : i32
    %dma_start3A_66 = tpu.memref_slice %arg6[%dma_start3A_59, %dma_start3A_65] : memref<4x128xi32, #tpu.memory_space<vmem>> -> memref<1x128xi32, #tpu.memory_space<vmem>>
    %dma_start3A_67 = tpu.memref_squeeze %dma_start3A_66 : memref<1x128xi32, #tpu.memory_space<vmem>> -> memref<128xi32, #tpu.memory_space<vmem>>
    %dma_start3A_68 = arith.constant 0 : i32
    %dma_start3A_69 = arith.constant 0 : i32
    %dma_start3A_70 = tpu.memref_slice %arg2[%dma_start3A_68, %dma_start3A_69] : memref<16384x384xf32, #tpu.memory_space<hbm>> -> memref<16384x384xf32, #tpu.memory_space<hbm>>
    tpu.enqueue_indirect_dma source(%dma_start3A_70 : memref<16384x384xf32, #tpu.memory_space<hbm>>) target(%dma_start3A_64 : memref<128x384xf32, #tpu.memory_space<vmem>>) offsets(%dma_start3A_67 : memref<128xi32, #tpu.memory_space<vmem>>) semaphore(%arg9 : memref<!tpu.dma_semaphore, #tpu.memory_space<semaphore_mem>>)
    %dma_wait3A_71 = arith.constant 1 : i32
    %dma_wait3A_72 = arith.constant 1 : i32
    %dma_wait3A_73 = arith.constant 0 : i32
    %dma_wait3A_74 = arith.constant 0 : i32
    %dma_wait3A_75 = tpu.memref_slice %arg8[%dma_wait3A_72, %dma_wait3A_73, %dma_wait3A_74] : memref<2x128x384xf32, #tpu.memory_space<vmem>> -> memref<1x128x384xf32, #tpu.memory_space<vmem>>
    %dma_wait3A_76 = tpu.memref_squeeze %dma_wait3A_75 : memref<1x128x384xf32, #tpu.memory_space<vmem>> -> memref<128x384xf32, #tpu.memory_space<vmem>>
    %dma_wait3A_77 = arith.constant 0 : i32
    %dma_wait3A_78 = tpu.memref_slice %arg6[%dma_wait3A_71, %dma_wait3A_77] : memref<4x128xi32, #tpu.memory_space<vmem>> -> memref<1x128xi32, #tpu.memory_space<vmem>>
    %dma_wait3A_79 = tpu.memref_squeeze %dma_wait3A_78 : memref<1x128xi32, #tpu.memory_space<vmem>> -> memref<128xi32, #tpu.memory_space<vmem>>
    %dma_wait3A_80 = arith.constant 0 : i32
    %dma_wait3A_81 = arith.constant 0 : i32
    %dma_wait3A_82 = tpu.memref_slice %arg2[%dma_wait3A_80, %dma_wait3A_81] : memref<16384x384xf32, #tpu.memory_space<hbm>> -> memref<16384x384xf32, #tpu.memory_space<hbm>>
    tpu.wait_indirect_dma semaphore(%arg10 : memref<!tpu.dma_semaphore, #tpu.memory_space<semaphore_mem>>) src(%dma_wait3A_82 : memref<16384x384xf32, #tpu.memory_space<hbm>>) dst(%dma_wait3A_76 : memref<128x384xf32, #tpu.memory_space<vmem>>)
    %dma_start3A_83 = arith.constant 1 : i32
    %dma_start3A_84 = arith.constant 1 : i32
    %dma_start3A_85 = arith.constant 0 : i32
    %dma_start3A_86 = arith.constant 0 : i32
    %dma_start3A_87 = tpu.memref_slice %arg8[%dma_start3A_83, %dma_start3A_85, %dma_start3A_86] : memref<2x128x384xf32, #tpu.memory_space<vmem>> -> memref<1x128x384xf32, #tpu.memory_space<vmem>>
    %dma_start3A_88 = tpu.memref_squeeze %dma_start3A_87 : memref<1x128x384xf32, #tpu.memory_space<vmem>> -> memref<128x384xf32, #tpu.memory_space<vmem>>
    %dma_start3A_89 = arith.constant 0 : i32
    %dma_start3A_90 = tpu.memref_slice %arg7[%dma_start3A_84, %dma_start3A_89] : memref<4x128xi32, #tpu.memory_space<vmem>> -> memref<1x128xi32, #tpu.memory_space<vmem>>
    %dma_start3A_91 = tpu.memref_squeeze %dma_start3A_90 : memref<1x128xi32, #tpu.memory_space<vmem>> -> memref<128xi32, #tpu.memory_space<vmem>>
    %dma_start3A_92 = arith.constant 0 : i32
    %dma_start3A_93 = arith.constant 0 : i32
    %dma_start3A_94 = tpu.memref_slice %arg5[%dma_start3A_92, %dma_start3A_93] : memref<65544x384xf32, #tpu.memory_space<hbm>> -> memref<65544x384xf32, #tpu.memory_space<hbm>>
    tpu.enqueue_indirect_dma source(%dma_start3A_88 : memref<128x384xf32, #tpu.memory_space<vmem>>) target(%dma_start3A_94 : memref<65544x384xf32, #tpu.memory_space<hbm>>) offsets(%dma_start3A_91 : memref<128xi32, #tpu.memory_space<vmem>>) semaphore(%arg12 : memref<!tpu.dma_semaphore, #tpu.memory_space<semaphore_mem>>)
    %dma_wait3A_95 = arith.constant 1 : i32
    %dma_wait3A_96 = arith.constant 1 : i32
    %dma_wait3A_97 = arith.constant 0 : i32
    %dma_wait3A_98 = arith.constant 0 : i32
    %dma_wait3A_99 = tpu.memref_slice %arg8[%dma_wait3A_95, %dma_wait3A_97, %dma_wait3A_98] : memref<2x128x384xf32, #tpu.memory_space<vmem>> -> memref<1x128x384xf32, #tpu.memory_space<vmem>>
    %dma_wait3A_100 = tpu.memref_squeeze %dma_wait3A_99 : memref<1x128x384xf32, #tpu.memory_space<vmem>> -> memref<128x384xf32, #tpu.memory_space<vmem>>
    %dma_wait3A_101 = arith.constant 0 : i32
    %dma_wait3A_102 = tpu.memref_slice %arg7[%dma_wait3A_96, %dma_wait3A_101] : memref<4x128xi32, #tpu.memory_space<vmem>> -> memref<1x128xi32, #tpu.memory_space<vmem>>
    %dma_wait3A_103 = tpu.memref_squeeze %dma_wait3A_102 : memref<1x128xi32, #tpu.memory_space<vmem>> -> memref<128xi32, #tpu.memory_space<vmem>>
    %dma_wait3A_104 = arith.constant 0 : i32
    %dma_wait3A_105 = arith.constant 0 : i32
    %dma_wait3A_106 = tpu.memref_slice %arg5[%dma_wait3A_104, %dma_wait3A_105] : memref<65544x384xf32, #tpu.memory_space<hbm>> -> memref<65544x384xf32, #tpu.memory_space<hbm>>
    tpu.wait_indirect_dma semaphore(%arg12 : memref<!tpu.dma_semaphore, #tpu.memory_space<semaphore_mem>>) src(%dma_wait3A_100 : memref<128x384xf32, #tpu.memory_space<vmem>>) dst(%dma_wait3A_106 : memref<65544x384xf32, #tpu.memory_space<hbm>>)
    %dma_start3A_107 = arith.constant 3 : i32
    %dma_start3A_108 = arith.constant 1 : i32
    %dma_start3A_109 = arith.constant 0 : i32
    %dma_start3A_110 = arith.constant 0 : i32
    %dma_start3A_111 = tpu.memref_slice %arg8[%dma_start3A_108, %dma_start3A_109, %dma_start3A_110] : memref<2x128x384xf32, #tpu.memory_space<vmem>> -> memref<1x128x384xf32, #tpu.memory_space<vmem>>
    %dma_start3A_112 = tpu.memref_squeeze %dma_start3A_111 : memref<1x128x384xf32, #tpu.memory_space<vmem>> -> memref<128x384xf32, #tpu.memory_space<vmem>>
    %dma_start3A_113 = arith.constant 0 : i32
    %dma_start3A_114 = tpu.memref_slice %arg6[%dma_start3A_107, %dma_start3A_113] : memref<4x128xi32, #tpu.memory_space<vmem>> -> memref<1x128xi32, #tpu.memory_space<vmem>>
    %dma_start3A_115 = tpu.memref_squeeze %dma_start3A_114 : memref<1x128xi32, #tpu.memory_space<vmem>> -> memref<128xi32, #tpu.memory_space<vmem>>
    %dma_start3A_116 = arith.constant 0 : i32
    %dma_start3A_117 = arith.constant 0 : i32
    %dma_start3A_118 = tpu.memref_slice %arg2[%dma_start3A_116, %dma_start3A_117] : memref<16384x384xf32, #tpu.memory_space<hbm>> -> memref<16384x384xf32, #tpu.memory_space<hbm>>
    tpu.enqueue_indirect_dma source(%dma_start3A_118 : memref<16384x384xf32, #tpu.memory_space<hbm>>) target(%dma_start3A_112 : memref<128x384xf32, #tpu.memory_space<vmem>>) offsets(%dma_start3A_115 : memref<128xi32, #tpu.memory_space<vmem>>) semaphore(%arg10 : memref<!tpu.dma_semaphore, #tpu.memory_space<semaphore_mem>>)
    %dma_wait3A_119 = arith.constant 2 : i32
    %dma_wait3A_120 = arith.constant 0 : i32
    %dma_wait3A_121 = arith.constant 0 : i32
    %dma_wait3A_122 = arith.constant 0 : i32
    %dma_wait3A_123 = tpu.memref_slice %arg8[%dma_wait3A_120, %dma_wait3A_121, %dma_wait3A_122] : memref<2x128x384xf32, #tpu.memory_space<vmem>> -> memref<1x128x384xf32, #tpu.memory_space<vmem>>
    %dma_wait3A_124 = tpu.memref_squeeze %dma_wait3A_123 : memref<1x128x384xf32, #tpu.memory_space<vmem>> -> memref<128x384xf32, #tpu.memory_space<vmem>>
    %dma_wait3A_125 = arith.constant 0 : i32
    %dma_wait3A_126 = tpu.memref_slice %arg6[%dma_wait3A_119, %dma_wait3A_125] : memref<4x128xi32, #tpu.memory_space<vmem>> -> memref<1x128xi32, #tpu.memory_space<vmem>>
    %dma_wait3A_127 = tpu.memref_squeeze %dma_wait3A_126 : memref<1x128xi32, #tpu.memory_space<vmem>> -> memref<128xi32, #tpu.memory_space<vmem>>
    %dma_wait3A_128 = arith.constant 0 : i32
    %dma_wait3A_129 = arith.constant 0 : i32
    %dma_wait3A_130 = tpu.memref_slice %arg2[%dma_wait3A_128, %dma_wait3A_129] : memref<16384x384xf32, #tpu.memory_space<hbm>> -> memref<16384x384xf32, #tpu.memory_space<hbm>>
    tpu.wait_indirect_dma semaphore(%arg9 : memref<!tpu.dma_semaphore, #tpu.memory_space<semaphore_mem>>) src(%dma_wait3A_130 : memref<16384x384xf32, #tpu.memory_space<hbm>>) dst(%dma_wait3A_124 : memref<128x384xf32, #tpu.memory_space<vmem>>)
    %dma_start3A_131 = arith.constant 0 : i32
    %dma_start3A_132 = arith.constant 2 : i32
    %dma_start3A_133 = arith.constant 0 : i32
    %dma_start3A_134 = arith.constant 0 : i32
    %dma_start3A_135 = tpu.memref_slice %arg8[%dma_start3A_131, %dma_start3A_133, %dma_start3A_134] : memref<2x128x384xf32, #tpu.memory_space<vmem>> -> memref<1x128x384xf32, #tpu.memory_space<vmem>>
    %dma_start3A_136 = tpu.memref_squeeze %dma_start3A_135 : memref<1x128x384xf32, #tpu.memory_space<vmem>> -> memref<128x384xf32, #tpu.memory_space<vmem>>
    %dma_start3A_137 = arith.constant 0 : i32
    %dma_start3A_138 = tpu.memref_slice %arg7[%dma_start3A_132, %dma_start3A_137] : memref<4x128xi32, #tpu.memory_space<vmem>> -> memref<1x128xi32, #tpu.memory_space<vmem>>
    %dma_start3A_139 = tpu.memref_squeeze %dma_start3A_138 : memref<1x128xi32, #tpu.memory_space<vmem>> -> memref<128xi32, #tpu.memory_space<vmem>>
    %dma_start3A_140 = arith.constant 0 : i32
    %dma_start3A_141 = arith.constant 0 : i32
    %dma_start3A_142 = tpu.memref_slice %arg5[%dma_start3A_140, %dma_start3A_141] : memref<65544x384xf32, #tpu.memory_space<hbm>> -> memref<65544x384xf32, #tpu.memory_space<hbm>>
    tpu.enqueue_indirect_dma source(%dma_start3A_136 : memref<128x384xf32, #tpu.memory_space<vmem>>) target(%dma_start3A_142 : memref<65544x384xf32, #tpu.memory_space<hbm>>) offsets(%dma_start3A_139 : memref<128xi32, #tpu.memory_space<vmem>>) semaphore(%arg11 : memref<!tpu.dma_semaphore, #tpu.memory_space<semaphore_mem>>)
    %dma_wait3A_143 = arith.constant 3 : i32
    %dma_wait3A_144 = arith.constant 1 : i32
    %dma_wait3A_145 = arith.constant 0 : i32
    %dma_wait3A_146 = arith.constant 0 : i32
    %dma_wait3A_147 = tpu.memref_slice %arg8[%dma_wait3A_144, %dma_wait3A_145, %dma_wait3A_146] : memref<2x128x384xf32, #tpu.memory_space<vmem>> -> memref<1x128x384xf32, #tpu.memory_space<vmem>>
    %dma_wait3A_148 = tpu.memref_squeeze %dma_wait3A_147 : memref<1x128x384xf32, #tpu.memory_space<vmem>> -> memref<128x384xf32, #tpu.memory_space<vmem>>
    %dma_wait3A_149 = arith.constant 0 : i32
    %dma_wait3A_150 = tpu.memref_slice %arg6[%dma_wait3A_143, %dma_wait3A_149] : memref<4x128xi32, #tpu.memory_space<vmem>> -> memref<1x128xi32, #tpu.memory_space<vmem>>
    %dma_wait3A_151 = tpu.memref_squeeze %dma_wait3A_150 : memref<1x128xi32, #tpu.memory_space<vmem>> -> memref<128xi32, #tpu.memory_space<vmem>>
    %dma_wait3A_152 = arith.constant 0 : i32
    %dma_wait3A_153 = arith.constant 0 : i32
    %dma_wait3A_154 = tpu.memref_slice %arg2[%dma_wait3A_152, %dma_wait3A_153] : memref<16384x384xf32, #tpu.memory_space<hbm>> -> memref<16384x384xf32, #tpu.memory_space<hbm>>
    tpu.wait_indirect_dma semaphore(%arg10 : memref<!tpu.dma_semaphore, #tpu.memory_space<semaphore_mem>>) src(%dma_wait3A_154 : memref<16384x384xf32, #tpu.memory_space<hbm>>) dst(%dma_wait3A_148 : memref<128x384xf32, #tpu.memory_space<vmem>>)
    %dma_start3A_155 = arith.constant 1 : i32
    %dma_start3A_156 = arith.constant 3 : i32
    %dma_start3A_157 = arith.constant 0 : i32
    %dma_start3A_158 = arith.constant 0 : i32
    %dma_start3A_159 = tpu.memref_slice %arg8[%dma_start3A_155, %dma_start3A_157, %dma_start3A_158] : memref<2x128x384xf32, #tpu.memory_space<vmem>> -> memref<1x128x384xf32, #tpu.memory_space<vmem>>
    %dma_start3A_160 = tpu.memref_squeeze %dma_start3A_159 : memref<1x128x384xf32, #tpu.memory_space<vmem>> -> memref<128x384xf32, #tpu.memory_space<vmem>>
    %dma_start3A_161 = arith.constant 0 : i32
    %dma_start3A_162 = tpu.memref_slice %arg7[%dma_start3A_156, %dma_start3A_161] : memref<4x128xi32, #tpu.memory_space<vmem>> -> memref<1x128xi32, #tpu.memory_space<vmem>>
    %dma_start3A_163 = tpu.memref_squeeze %dma_start3A_162 : memref<1x128xi32, #tpu.memory_space<vmem>> -> memref<128xi32, #tpu.memory_space<vmem>>
    %dma_start3A_164 = arith.constant 0 : i32
    %dma_start3A_165 = arith.constant 0 : i32
    %dma_start3A_166 = tpu.memref_slice %arg5[%dma_start3A_164, %dma_start3A_165] : memref<65544x384xf32, #tpu.memory_space<hbm>> -> memref<65544x384xf32, #tpu.memory_space<hbm>>
    tpu.enqueue_indirect_dma source(%dma_start3A_160 : memref<128x384xf32, #tpu.memory_space<vmem>>) target(%dma_start3A_166 : memref<65544x384xf32, #tpu.memory_space<hbm>>) offsets(%dma_start3A_163 : memref<128xi32, #tpu.memory_space<vmem>>) semaphore(%arg12 : memref<!tpu.dma_semaphore, #tpu.memory_space<semaphore_mem>>)
    %dma_wait3A_167 = arith.constant 0 : i32
    %dma_wait3A_168 = arith.constant 2 : i32
    %dma_wait3A_169 = arith.constant 0 : i32
    %dma_wait3A_170 = arith.constant 0 : i32
    %dma_wait3A_171 = tpu.memref_slice %arg8[%dma_wait3A_167, %dma_wait3A_169, %dma_wait3A_170] : memref<2x128x384xf32, #tpu.memory_space<vmem>> -> memref<1x128x384xf32, #tpu.memory_space<vmem>>
    %dma_wait3A_172 = tpu.memref_squeeze %dma_wait3A_171 : memref<1x128x384xf32, #tpu.memory_space<vmem>> -> memref<128x384xf32, #tpu.memory_space<vmem>>
    %dma_wait3A_173 = arith.constant 0 : i32
    %dma_wait3A_174 = tpu.memref_slice %arg7[%dma_wait3A_168, %dma_wait3A_173] : memref<4x128xi32, #tpu.memory_space<vmem>> -> memref<1x128xi32, #tpu.memory_space<vmem>>
    %dma_wait3A_175 = tpu.memref_squeeze %dma_wait3A_174 : memref<1x128xi32, #tpu.memory_space<vmem>> -> memref<128xi32, #tpu.memory_space<vmem>>
    %dma_wait3A_176 = arith.constant 0 : i32
    %dma_wait3A_177 = arith.constant 0 : i32
    %dma_wait3A_178 = tpu.memref_slice %arg5[%dma_wait3A_176, %dma_wait3A_177] : memref<65544x384xf32, #tpu.memory_space<hbm>> -> memref<65544x384xf32, #tpu.memory_space<hbm>>
    tpu.wait_indirect_dma semaphore(%arg11 : memref<!tpu.dma_semaphore, #tpu.memory_space<semaphore_mem>>) src(%dma_wait3A_172 : memref<128x384xf32, #tpu.memory_space<vmem>>) dst(%dma_wait3A_178 : memref<65544x384xf32, #tpu.memory_space<hbm>>)
    %dma_wait3A_179 = arith.constant 1 : i32
    %dma_wait3A_180 = arith.constant 3 : i32
    %dma_wait3A_181 = arith.constant 0 : i32
    %dma_wait3A_182 = arith.constant 0 : i32
    %dma_wait3A_183 = tpu.memref_slice %arg8[%dma_wait3A_179, %dma_wait3A_181, %dma_wait3A_182] : memref<2x128x384xf32, #tpu.memory_space<vmem>> -> memref<1x128x384xf32, #tpu.memory_space<vmem>>
    %dma_wait3A_184 = tpu.memref_squeeze %dma_wait3A_183 : memref<1x128x384xf32, #tpu.memory_space<vmem>> -> memref<128x384xf32, #tpu.memory_space<vmem>>
    %dma_wait3A_185 = arith.constant 0 : i32
    %dma_wait3A_186 = tpu.memref_slice %arg7[%dma_wait3A_180, %dma_wait3A_185] : memref<4x128xi32, #tpu.memory_space<vmem>> -> memref<1x128xi32, #tpu.memory_space<vmem>>
    %dma_wait3A_187 = tpu.memref_squeeze %dma_wait3A_186 : memref<1x128xi32, #tpu.memory_space<vmem>> -> memref<128xi32, #tpu.memory_space<vmem>>
    %dma_wait3A_188 = arith.constant 0 : i32
    %dma_wait3A_189 = arith.constant 0 : i32
    %dma_wait3A_190 = tpu.memref_slice %arg5[%dma_wait3A_188, %dma_wait3A_189] : memref<65544x384xf32, #tpu.memory_space<hbm>> -> memref<65544x384xf32, #tpu.memory_space<hbm>>
    tpu.wait_indirect_dma semaphore(%arg12 : memref<!tpu.dma_semaphore, #tpu.memory_space<semaphore_mem>>) src(%dma_wait3A_184 : memref<128x384xf32, #tpu.memory_space<vmem>>) dst(%dma_wait3A_190 : memref<65544x384xf32, #tpu.memory_space<hbm>>)
    return
  }
}

module attributes {stable_mosaic.version = 14 : i64} {
  func.func @_gi_body(%arg0: i32, %arg1: memref<2048x256xf32, #tpu.memory_space<vmem>>, %arg2: memref<256x384xf32, #tpu.memory_space<vmem>>, %arg3: memref<1x384xf32, #tpu.memory_space<vmem>>, %arg4: memref<2048x384xf32, #tpu.memory_space<vmem>>) attributes {dimension_semantics = [#tpu.dimension_semantics<arbitrary>], iteration_bounds = array<i64: 8>, scalar_prefetch = 0 : i64, scratch_operands = 0 : i64, tpu.core_type = #tpu.core_type<tc>, window_params = [{transform_indices = @transform_0, window_bounds = array<i64: 2048, 256>}, {pipeline_mode = #tpu.pipeline_mode<synchronous>, transform_indices = @transform_1, window_bounds = array<i64: 256, 384>}, {pipeline_mode = #tpu.pipeline_mode<synchronous>, transform_indices = @transform_2, window_bounds = array<i64: 1, 384>}, {transform_indices = @transform_3, window_bounds = array<i64: 2048, 384>}]} {
    %get3A = arith.constant 0 : index
    %get3A_0 = arith.constant 0 : index
    %get3A_1 = vector.load %arg1[%get3A, %get3A_0] : memref<2048x256xf32, #tpu.memory_space<vmem>>, vector<2048x256xf32>
    %get3A_2 = arith.constant 0 : index
    %get3A_3 = arith.constant 0 : index
    %get3A_4 = vector.load %arg2[%get3A_2, %get3A_3] : memref<256x384xf32, #tpu.memory_space<vmem>>, vector<256x384xf32>
    %dot_general3A = arith.constant dense<0.000000e+00> : vector<2048x384xf32>
    %dot_general3A_5 = tpu.matmul %get3A_1, %get3A_4, %dot_general3A {dimension_numbers = #tpu.dot_dimension_numbers<[1], [0], [0], [1], [0, 0, 1, 1], [], []>, transpose_lhs_hint = false} : vector<2048x256xf32>, vector<256x384xf32>, vector<2048x384xf32> -> vector<2048x384xf32>
    %get3A_6 = arith.constant 0 : index
    %get3A_7 = arith.constant 0 : index
    %get3A_8 = vector.load %arg3[%get3A_6, %get3A_7] : memref<1x384xf32, #tpu.memory_space<vmem>>, vector<1x384xf32>
    %add3A = vector.broadcast %get3A_8 : vector<1x384xf32> to vector<2048x384xf32>
    %add3A_9 = arith.addf %dot_general3A_5, %add3A : vector<2048x384xf32>
    %swap3A = arith.constant 0 : index
    %swap3A_10 = arith.constant 0 : index
    %swap3A_11 = vector.load %arg4[%swap3A, %swap3A_10] : memref<2048x384xf32, #tpu.memory_space<vmem>>, vector<2048x384xf32>
    tpu.vector_store %arg4[%swap3A, %swap3A_10], %add3A_9 {strides = array<i32>} : memref<2048x384xf32, #tpu.memory_space<vmem>>, vector<2048x384xf32>,
    return
  }
  func.func @transform_0(%arg0: i32) -> (i32, i32) {
    %c0_i32 = arith.constant 0 : i32
    %c0_i32_0 = arith.constant 0 : i32
    return %arg0, %c0_i32 : i32, i32
  }
  func.func @transform_1(%arg0: i32) -> (i32, i32) {
    %c0_i32 = arith.constant 0 : i32
    %c0_i32_0 = arith.constant 0 : i32
    %c0_i32_1 = arith.constant 0 : i32
    return %c0_i32, %c0_i32_0 : i32, i32
  }
  func.func @transform_2(%arg0: i32) -> (i32, i32) {
    %c0_i32 = arith.constant 0 : i32
    %c0_i32_0 = arith.constant 0 : i32
    %c0_i32_1 = arith.constant 0 : i32
    return %c0_i32, %c0_i32_0 : i32, i32
  }
  func.func @transform_3(%arg0: i32) -> (i32, i32) {
    %c0_i32 = arith.constant 0 : i32
    %c0_i32_0 = arith.constant 0 : i32
    return %arg0, %c0_i32 : i32, i32
  }
}

module attributes {stable_mosaic.version = 14 : i64} {
  func.func @_rec_body(%arg0: memref<3xi32, #tpu.memory_space<smem>>, %arg1: memref<65544x384xf32, #tpu.memory_space<any>>, %arg2: memref<2048x1xi32, #tpu.memory_space<vmem>>, %arg3: memref<2048x128xf32, #tpu.memory_space<vmem>>, %arg4: memref<128x384xf32, #tpu.memory_space<vmem>>, %arg5: memref<128x256xf32, #tpu.memory_space<vmem>>, %arg6: memref<1x384xf32, #tpu.memory_space<vmem>>, %arg7: memref<1x384xf32, #tpu.memory_space<vmem>>, %arg8: memref<1x256xf32, #tpu.memory_space<vmem>>, %arg9: memref<2048x128xf32, #tpu.memory_space<vmem>>, %arg10: memref<2048x256xf32, #tpu.memory_space<vmem>>, %arg11: memref<2x2048x384xf32, #tpu.memory_space<vmem>>, %arg12: memref<2x!tpu.dma_semaphore, #tpu.memory_space<semaphore_mem>>) attributes {dimension_semantics = [], scalar_prefetch = 0 : i64, scratch_operands = 2 : i64, tpu.core_type = #tpu.core_type<tc>} {
    %get3A = arith.constant 0 : index
    %get3A_0 = memref.load %arg0[%get3A] : memref<3xi32, #tpu.memory_space<smem>>
    %get3A_1 = arith.constant 1 : index
    %get3A_2 = memref.load %arg0[%get3A_1] : memref<3xi32, #tpu.memory_space<smem>>
    %get3A_3 = arith.constant 2 : index
    %get3A_4 = memref.load %arg0[%get3A_3] : memref<3xi32, #tpu.memory_space<smem>>
    %get3A_5 = arith.constant 0 : index
    %get3A_6 = arith.constant 0 : index
    %get3A_7 = vector.load %arg2[%get3A_5, %get3A_6] : memref<2048x1xi32, #tpu.memory_space<vmem>>, vector<2048x1xi32>
    %get3A_8 = arith.constant 0 : index
    %get3A_9 = arith.constant 0 : index
    %get3A_10 = vector.load %arg4[%get3A_8, %get3A_9] : memref<128x384xf32, #tpu.memory_space<vmem>>, vector<128x384xf32>
    %get3A_11 = arith.constant 0 : index
    %get3A_12 = arith.constant 0 : index
    %get3A_13 = vector.load %arg6[%get3A_11, %get3A_12] : memref<1x384xf32, #tpu.memory_space<vmem>>, vector<1x384xf32>
    %get3A_14 = arith.constant 0 : index
    %get3A_15 = arith.constant 0 : index
    %get3A_16 = vector.load %arg7[%get3A_14, %get3A_15] : memref<1x384xf32, #tpu.memory_space<vmem>>, vector<1x384xf32>
    %dma_start3A = arith.constant 0 : i32
    %dma_start3A_17 = arith.constant 0 : i32
    %dma_start3A_18 = tpu.memref_slice %arg12[%dma_start3A_17] : memref<2x!tpu.dma_semaphore, #tpu.memory_space<semaphore_mem>> -> memref<1x!tpu.dma_semaphore, #tpu.memory_space<semaphore_mem>>
    %dma_start3A_19 = tpu.memref_squeeze %dma_start3A_18 : memref<1x!tpu.dma_semaphore, #tpu.memory_space<semaphore_mem>> -> memref<!tpu.dma_semaphore, #tpu.memory_space<semaphore_mem>>
    %dma_start3A_20 = arith.constant 0 : i32
    %dma_start3A_21 = arith.constant 0 : i32
    %dma_start3A_22 = tpu.memref_slice %arg11[%dma_start3A, %dma_start3A_20, %dma_start3A_21] : memref<2x2048x384xf32, #tpu.memory_space<vmem>> -> memref<1x2048x384xf32, #tpu.memory_space<vmem>>
    %dma_start3A_23 = tpu.memref_squeeze %dma_start3A_22 : memref<1x2048x384xf32, #tpu.memory_space<vmem>> -> memref<2048x384xf32, #tpu.memory_space<vmem>>
    %dma_start3A_24 = arith.constant 0 : i32
    %dma_start3A_25 = arith.constant 0 : i32
    %dma_start3A_26 = tpu.memref_slice %arg1[%dma_start3A_24, %dma_start3A_25] : memref<65544x384xf32, #tpu.memory_space<any>> -> memref<2048x384xf32, #tpu.memory_space<any>>
    tpu.enqueue_dma source(%dma_start3A_26 : memref<2048x384xf32, #tpu.memory_space<any>>) target(%dma_start3A_23 : memref<2048x384xf32, #tpu.memory_space<vmem>>) target_semaphore(%dma_start3A_19 : memref<!tpu.dma_semaphore, #tpu.memory_space<semaphore_mem>>)
    %get3A_27 = arith.constant 0 : index
    %get3A_28 = arith.constant 0 : index
    %get3A_29 = vector.load %arg3[%get3A_27, %get3A_28] : memref<2048x128xf32, #tpu.memory_space<vmem>>, vector<2048x128xf32>
    %while3A = arith.constant 0 : i32
    %while3A_30 = arith.subi %get3A_0, %while3A : i32
    %while3A_31 = arith.addi %while3A, %while3A_30 : i32
    %while3A_32 = arith.constant 1 : i32
    %while3A_33 = arith.divsi %while3A_30, %while3A_32 : i32
    %while3A_34 = arith.muli %while3A_33, %while3A_32 : i32
    %while3A_35 = arith.addi %while3A, %while3A_34 : i32
    %while3A_36 = arith.constant 1 : i32
    %while3A_37 = scf.for %while3A_58 = %while3A to %while3A_35 step %while3A_36 iter_args(%while3A_59 = %get3A_29) -> (vector<2048x128xf32>)  : i32 {
      %jit3A_60 = arith.constant 2 : i32
      %eq3A = arith.constant 0 : i32
      %eq3A_61 = arith.cmpi eq, %jit3A_60, %eq3A : i32
      %jit3A_62 = arith.constant 1 : i32
      %select_n3A_63 = arith.select %eq3A_61, %jit3A_62, %jit3A_60 : i32
      %rem3A = arith.remsi %while3A_58, %select_n3A_63 : i32
      %ne3A = arith.constant 0 : i32
      %ne3A_64 = arith.cmpi ne, %rem3A, %ne3A : i32
      %lt3A_65 = arith.constant 0 : i32
      %lt3A_66 = arith.cmpi slt, %rem3A, %lt3A_65 : i32
      %lt3A_67 = arith.constant 0 : i32
      %lt3A_68 = arith.cmpi slt, %select_n3A_63, %lt3A_67 : i32
      %ne3A_69 = arith.xori %lt3A_66, %lt3A_68 : i1
      %and3A_70 = arith.andi %ne3A_69, %ne3A_64 : i1
      %add3A_71 = arith.addi %rem3A, %select_n3A_63 : i32
      %select_n3A_72 = arith.select %and3A_70, %add3A_71, %rem3A : i32
      %add3A_73 = arith.constant 1 : i32
      %add3A_74 = arith.addi %while3A_58, %add3A_73 : i32
      %lt3A_75 = arith.cmpi slt, %add3A_74, %get3A_0 : i32
      %convert_element_type3A = arith.extui %lt3A_75 : i1 to i32
      %cond3A = arith.constant 0 : i32
      %cond3A_76 = arith.cmpi ne, %convert_element_type3A, %cond3A : i32
      scf.if %cond3A_76 {
        %add3A_127 = arith.constant 1 : i32
        %add3A_128 = arith.addi %while3A_58, %add3A_127 : i32
        %add3A_129 = arith.constant 1 : i32
        %add3A_130 = arith.addi %while3A_58, %add3A_129 : i32
        %jit3A_131 = arith.constant 2 : i32
        %eq3A_132 = arith.constant 0 : i32
        %eq3A_133 = arith.cmpi eq, %jit3A_131, %eq3A_132 : i32
        %jit3A_134 = arith.constant 1 : i32
        %select_n3A_135 = arith.select %eq3A_133, %jit3A_134, %jit3A_131 : i32
        %rem3A_136 = arith.remsi %add3A_130, %select_n3A_135 : i32
        %ne3A_137 = arith.constant 0 : i32
        %ne3A_138 = arith.cmpi ne, %rem3A_136, %ne3A_137 : i32
        %lt3A_139 = arith.constant 0 : i32
        %lt3A_140 = arith.cmpi slt, %rem3A_136, %lt3A_139 : i32
        %lt3A_141 = arith.constant 0 : i32
        %lt3A_142 = arith.cmpi slt, %select_n3A_135, %lt3A_141 : i32
        %ne3A_143 = arith.xori %lt3A_140, %lt3A_142 : i1
        %and3A_144 = arith.andi %ne3A_143, %ne3A_138 : i1
        %add3A_145 = arith.addi %rem3A_136, %select_n3A_135 : i32
        %select_n3A_146 = arith.select %and3A_144, %add3A_145, %rem3A_136 : i32
        %mul3A_147 = arith.constant 2048 : i32
        %mul3A_148 = arith.muli %add3A_128, %mul3A_147 : i32
        %dma_start3A_149 = tpu.memref_slice %arg12[%select_n3A_146] : memref<2x!tpu.dma_semaphore, #tpu.memory_space<semaphore_mem>> -> memref<1x!tpu.dma_semaphore, #tpu.memory_space<semaphore_mem>>
        %dma_start3A_150 = tpu.memref_squeeze %dma_start3A_149 : memref<1x!tpu.dma_semaphore, #tpu.memory_space<semaphore_mem>> -> memref<!tpu.dma_semaphore, #tpu.memory_space<semaphore_mem>>
        %dma_start3A_151 = arith.constant 0 : i32
        %dma_start3A_152 = arith.constant 0 : i32
        %dma_start3A_153 = tpu.memref_slice %arg11[%select_n3A_146, %dma_start3A_151, %dma_start3A_152] : memref<2x2048x384xf32, #tpu.memory_space<vmem>> -> memref<1x2048x384xf32, #tpu.memory_space<vmem>>
        %dma_start3A_154 = tpu.memref_squeeze %dma_start3A_153 : memref<1x2048x384xf32, #tpu.memory_space<vmem>> -> memref<2048x384xf32, #tpu.memory_space<vmem>>
        %dma_start3A_155 = arith.constant 0 : i32
        %dma_start3A_156 = tpu.memref_slice %arg1[%mul3A_148, %dma_start3A_155] : memref<65544x384xf32, #tpu.memory_space<any>> -> memref<2048x384xf32, #tpu.memory_space<any>>
        tpu.enqueue_dma source(%dma_start3A_156 : memref<2048x384xf32, #tpu.memory_space<any>>) target(%dma_start3A_154 : memref<2048x384xf32, #tpu.memory_space<vmem>>) target_semaphore(%dma_start3A_150 : memref<!tpu.dma_semaphore, #tpu.memory_space<semaphore_mem>>)
      } else {
      }
      %dot_general3A_77 = arith.constant dense<0.000000e+00> : vector<2048x384xf32>
      %dot_general3A_78 = tpu.matmul %while3A_59, %get3A_10, %dot_general3A_77 {dimension_numbers = #tpu.dot_dimension_numbers<[1], [0], [0], [1], [0, 0, 1, 1], [], []>, transpose_lhs_hint = false} : vector<2048x128xf32>, vector<128x384xf32>, vector<2048x384xf32> -> vector<2048x384xf32>
      %add3A_79 = vector.broadcast %get3A_16 : vector<1x384xf32> to vector<2048x384xf32>
      %add3A_80 = arith.addf %dot_general3A_78, %add3A_79 : vector<2048x384xf32>
      %mul3A = arith.constant 2048 : i32
      %mul3A_81 = arith.muli %while3A_58, %mul3A : i32
      %dma_wait3A = tpu.memref_slice %arg12[%select_n3A_72] : memref<2x!tpu.dma_semaphore, #tpu.memory_space<semaphore_mem>> -> memref<1x!tpu.dma_semaphore, #tpu.memory_space<semaphore_mem>>
      %dma_wait3A_82 = tpu.memref_squeeze %dma_wait3A : memref<1x!tpu.dma_semaphore, #tpu.memory_space<semaphore_mem>> -> memref<!tpu.dma_semaphore, #tpu.memory_space<semaphore_mem>>
      %dma_wait3A_83 = arith.constant 0 : i32
      %dma_wait3A_84 = arith.constant 0 : i32
      %dma_wait3A_85 = tpu.memref_slice %arg11[%select_n3A_72, %dma_wait3A_83, %dma_wait3A_84] : memref<2x2048x384xf32, #tpu.memory_space<vmem>> -> memref<1x2048x384xf32, #tpu.memory_space<vmem>>
      %dma_wait3A_86 = tpu.memref_squeeze %dma_wait3A_85 : memref<1x2048x384xf32, #tpu.memory_space<vmem>> -> memref<2048x384xf32, #tpu.memory_space<vmem>>
      %dma_wait3A_87 = arith.constant 0 : i32
      %dma_wait3A_88 = tpu.memref_slice %arg1[%mul3A_81, %dma_wait3A_87] : memref<65544x384xf32, #tpu.memory_space<any>> -> memref<2048x384xf32, #tpu.memory_space<any>>
      tpu.wait_dma2 semaphore(%dma_wait3A_82 : memref<!tpu.dma_semaphore, #tpu.memory_space<semaphore_mem>>) src(%dma_wait3A_88 : memref<2048x384xf32, #tpu.memory_space<any>>) dst(%dma_wait3A_86 : memref<2048x384xf32, #tpu.memory_space<vmem>>)
      %get3A_89 = arith.index_cast %select_n3A_72 : i32 to index
      %get3A_90 = arith.constant 0 : index
      %get3A_91 = arith.constant 0 : index
      %get3A_92 = vector.load %arg11[%get3A_89, %get3A_90, %get3A_91] : memref<2x2048x384xf32, #tpu.memory_space<vmem>>, vector<1x2048x384xf32>
      %get3A_93 = vector.shape_cast %get3A_92 : vector<1x2048x384xf32> to vector<2048x384xf32>
      %add3A_94 = arith.addi %get3A_2, %while3A_58 : i32
      %lt3A_95 = vector.broadcast %add3A_94 : i32 to vector<2048x1xi32>
      %lt3A_96 = arith.cmpi slt, %lt3A_95, %get3A_7 : vector<2048x1xi32>
      %broadcast_in_dim3A_97 = vector.shape_cast %lt3A_96 : vector<2048x1xi1> to vector<2048x1xi1>
      %broadcast_in_dim3A_98 = vector.broadcast %broadcast_in_dim3A_97 : vector<2048x1xi1> to vector<2048x384xi1>
      %broadcast_in_dim3A_99 = vector.shape_cast %get3A_13 : vector<1x384xf32> to vector<1x384xf32>
      %broadcast_in_dim3A_100 = vector.broadcast %broadcast_in_dim3A_99 : vector<1x384xf32> to vector<2048x384xf32>
      %select_n3A_101 = arith.select %broadcast_in_dim3A_98, %get3A_93, %broadcast_in_dim3A_100 : vector<2048x384xi1>, vector<2048x384xf32>
      %slice3A = vector.extract_strided_slice %select_n3A_101 {offsets = [0, 0], sizes = [2048, 128], strides = [1, 1]} : vector<2048x384xf32> to vector<2048x128xf32>
      %slice3A_102 = vector.extract_strided_slice %add3A_80 {offsets = [0, 0], sizes = [2048, 128], strides = [1, 1]} : vector<2048x384xf32> to vector<2048x128xf32>
      %add3A_103 = arith.addf %slice3A, %slice3A_102 : vector<2048x128xf32>
      %logistic3A = arith.negf %add3A_103 : vector<2048x128xf32>
      %logistic3A_104 = math.exp %logistic3A : vector<2048x128xf32>
      %logistic3A_105 = arith.constant 1.000000e+00 : f32
      %logistic3A_106 = vector.broadcast %logistic3A_105 : f32 to vector<2048x128xf32>
      %logistic3A_107 = arith.addf %logistic3A_106, %logistic3A_104 : vector<2048x128xf32>
      %logistic3A_108 = arith.divf %logistic3A_106, %logistic3A_107 : vector<2048x128xf32>
      %slice3A_109 = vector.extract_strided_slice %select_n3A_101 {offsets = [0, 128], sizes = [2048, 128], strides = [1, 1]} : vector<2048x384xf32> to vector<2048x128xf32>
      %slice3A_110 = vector.extract_strided_slice %add3A_80 {offsets = [0, 128], sizes = [2048, 128], strides = [1, 1]} : vector<2048x384xf32> to vector<2048x128xf32>
      %add3A_111 = arith.addf %slice3A_109, %slice3A_110 : vector<2048x128xf32>
      %logistic3A_112 = arith.negf %add3A_111 : vector<2048x128xf32>
      %logistic3A_113 = math.exp %logistic3A_112 : vector<2048x128xf32>
      %logistic3A_114 = arith.constant 1.000000e+00 : f32
      %logistic3A_115 = vector.broadcast %logistic3A_114 : f32 to vector<2048x128xf32>
      %logistic3A_116 = arith.addf %logistic3A_115, %logistic3A_113 : vector<2048x128xf32>
      %logistic3A_117 = arith.divf %logistic3A_115, %logistic3A_116 : vector<2048x128xf32>
      %slice3A_118 = vector.extract_strided_slice %select_n3A_101 {offsets = [0, 256], sizes = [2048, 128], strides = [1, 1]} : vector<2048x384xf32> to vector<2048x128xf32>
      %slice3A_119 = vector.extract_strided_slice %add3A_80 {offsets = [0, 256], sizes = [2048, 128], strides = [1, 1]} : vector<2048x384xf32> to vector<2048x128xf32>
      %mul3A_120 = arith.mulf %logistic3A_108, %slice3A_119 : vector<2048x128xf32>
      %add3A_121 = arith.addf %slice3A_118, %mul3A_120 : vector<2048x128xf32>
      %tanh3A = math.tanh %add3A_121 : vector<2048x128xf32>
      %sub3A = arith.constant 1.000000e+00 : f32
      %sub3A_122 = vector.broadcast %sub3A : f32 to vector<2048x128xf32>
      %sub3A_123 = arith.subf %sub3A_122, %logistic3A_117 : vector<2048x128xf32>
      %mul3A_124 = arith.mulf %sub3A_123, %tanh3A : vector<2048x128xf32>
      %mul3A_125 = arith.mulf %logistic3A_117, %while3A_59 : vector<2048x128xf32>
      %add3A_126 = arith.addf %mul3A_124, %mul3A_125 : vector<2048x128xf32>
      scf.yield %add3A_126 : vector<2048x128xf32>
    }
    %while3A_38 = arith.constant 1 : i32
    %while3A_39 = scf.for %while3A_58 = %while3A_35 to %while3A_31 step %while3A_38 iter_args(%while3A_59 = %while3A_37) -> (vector<2048x128xf32>)  : i32 {
      %jit3A_60 = arith.constant 2 : i32
      %eq3A = arith.constant 0 : i32
      %eq3A_61 = arith.cmpi eq, %jit3A_60, %eq3A : i32
      %jit3A_62 = arith.constant 1 : i32
      %select_n3A_63 = arith.select %eq3A_61, %jit3A_62, %jit3A_60 : i32
      %rem3A = arith.remsi %while3A_58, %select_n3A_63 : i32
      %ne3A = arith.constant 0 : i32
      %ne3A_64 = arith.cmpi ne, %rem3A, %ne3A : i32
      %lt3A_65 = arith.constant 0 : i32
      %lt3A_66 = arith.cmpi slt, %rem3A, %lt3A_65 : i32
      %lt3A_67 = arith.constant 0 : i32
      %lt3A_68 = arith.cmpi slt, %select_n3A_63, %lt3A_67 : i32
      %ne3A_69 = arith.xori %lt3A_66, %lt3A_68 : i1
      %and3A_70 = arith.andi %ne3A_69, %ne3A_64 : i1
      %add3A_71 = arith.addi %rem3A, %select_n3A_63 : i32
      %select_n3A_72 = arith.select %and3A_70, %add3A_71, %rem3A : i32
      %add3A_73 = arith.constant 1 : i32
      %add3A_74 = arith.addi %while3A_58, %add3A_73 : i32
      %lt3A_75 = arith.cmpi slt, %add3A_74, %get3A_0 : i32
      %convert_element_type3A = arith.extui %lt3A_75 : i1 to i32
      %cond3A = arith.constant 0 : i32
      %cond3A_76 = arith.cmpi ne, %convert_element_type3A, %cond3A : i32
      scf.if %cond3A_76 {
        %add3A_127 = arith.constant 1 : i32
        %add3A_128 = arith.addi %while3A_58, %add3A_127 : i32
        %add3A_129 = arith.constant 1 : i32
        %add3A_130 = arith.addi %while3A_58, %add3A_129 : i32
        %jit3A_131 = arith.constant 2 : i32
        %eq3A_132 = arith.constant 0 : i32
        %eq3A_133 = arith.cmpi eq, %jit3A_131, %eq3A_132 : i32
        %jit3A_134 = arith.constant 1 : i32
        %select_n3A_135 = arith.select %eq3A_133, %jit3A_134, %jit3A_131 : i32
        %rem3A_136 = arith.remsi %add3A_130, %select_n3A_135 : i32
        %ne3A_137 = arith.constant 0 : i32
        %ne3A_138 = arith.cmpi ne, %rem3A_136, %ne3A_137 : i32
        %lt3A_139 = arith.constant 0 : i32
        %lt3A_140 = arith.cmpi slt, %rem3A_136, %lt3A_139 : i32
        %lt3A_141 = arith.constant 0 : i32
        %lt3A_142 = arith.cmpi slt, %select_n3A_135, %lt3A_141 : i32
        %ne3A_143 = arith.xori %lt3A_140, %lt3A_142 : i1
        %and3A_144 = arith.andi %ne3A_143, %ne3A_138 : i1
        %add3A_145 = arith.addi %rem3A_136, %select_n3A_135 : i32
        %select_n3A_146 = arith.select %and3A_144, %add3A_145, %rem3A_136 : i32
        %mul3A_147 = arith.constant 2048 : i32
        %mul3A_148 = arith.muli %add3A_128, %mul3A_147 : i32
        %dma_start3A_149 = tpu.memref_slice %arg12[%select_n3A_146] : memref<2x!tpu.dma_semaphore, #tpu.memory_space<semaphore_mem>> -> memref<1x!tpu.dma_semaphore, #tpu.memory_space<semaphore_mem>>
        %dma_start3A_150 = tpu.memref_squeeze %dma_start3A_149 : memref<1x!tpu.dma_semaphore, #tpu.memory_space<semaphore_mem>> -> memref<!tpu.dma_semaphore, #tpu.memory_space<semaphore_mem>>
        %dma_start3A_151 = arith.constant 0 : i32
        %dma_start3A_152 = arith.constant 0 : i32
        %dma_start3A_153 = tpu.memref_slice %arg11[%select_n3A_146, %dma_start3A_151, %dma_start3A_152] : memref<2x2048x384xf32, #tpu.memory_space<vmem>> -> memref<1x2048x384xf32, #tpu.memory_space<vmem>>
        %dma_start3A_154 = tpu.memref_squeeze %dma_start3A_153 : memref<1x2048x384xf32, #tpu.memory_space<vmem>> -> memref<2048x384xf32, #tpu.memory_space<vmem>>
        %dma_start3A_155 = arith.constant 0 : i32
        %dma_start3A_156 = tpu.memref_slice %arg1[%mul3A_148, %dma_start3A_155] : memref<65544x384xf32, #tpu.memory_space<any>> -> memref<2048x384xf32, #tpu.memory_space<any>>
        tpu.enqueue_dma source(%dma_start3A_156 : memref<2048x384xf32, #tpu.memory_space<any>>) target(%dma_start3A_154 : memref<2048x384xf32, #tpu.memory_space<vmem>>) target_semaphore(%dma_start3A_150 : memref<!tpu.dma_semaphore, #tpu.memory_space<semaphore_mem>>)
      } else {
      }
      %dot_general3A_77 = arith.constant dense<0.000000e+00> : vector<2048x384xf32>
      %dot_general3A_78 = tpu.matmul %while3A_59, %get3A_10, %dot_general3A_77 {dimension_numbers = #tpu.dot_dimension_numbers<[1], [0], [0], [1], [0, 0, 1, 1], [], []>, transpose_lhs_hint = false} : vector<2048x128xf32>, vector<128x384xf32>, vector<2048x384xf32> -> vector<2048x384xf32>
      %add3A_79 = vector.broadcast %get3A_16 : vector<1x384xf32> to vector<2048x384xf32>
      %add3A_80 = arith.addf %dot_general3A_78, %add3A_79 : vector<2048x384xf32>
      %mul3A = arith.constant 2048 : i32
      %mul3A_81 = arith.muli %while3A_58, %mul3A : i32
      %dma_wait3A = tpu.memref_slice %arg12[%select_n3A_72] : memref<2x!tpu.dma_semaphore, #tpu.memory_space<semaphore_mem>> -> memref<1x!tpu.dma_semaphore, #tpu.memory_space<semaphore_mem>>
      %dma_wait3A_82 = tpu.memref_squeeze %dma_wait3A : memref<1x!tpu.dma_semaphore, #tpu.memory_space<semaphore_mem>> -> memref<!tpu.dma_semaphore, #tpu.memory_space<semaphore_mem>>
      %dma_wait3A_83 = arith.constant 0 : i32
      %dma_wait3A_84 = arith.constant 0 : i32
      %dma_wait3A_85 = tpu.memref_slice %arg11[%select_n3A_72, %dma_wait3A_83, %dma_wait3A_84] : memref<2x2048x384xf32, #tpu.memory_space<vmem>> -> memref<1x2048x384xf32, #tpu.memory_space<vmem>>
      %dma_wait3A_86 = tpu.memref_squeeze %dma_wait3A_85 : memref<1x2048x384xf32, #tpu.memory_space<vmem>> -> memref<2048x384xf32, #tpu.memory_space<vmem>>
      %dma_wait3A_87 = arith.constant 0 : i32
      %dma_wait3A_88 = tpu.memref_slice %arg1[%mul3A_81, %dma_wait3A_87] : memref<65544x384xf32, #tpu.memory_space<any>> -> memref<2048x384xf32, #tpu.memory_space<any>>
      tpu.wait_dma2 semaphore(%dma_wait3A_82 : memref<!tpu.dma_semaphore, #tpu.memory_space<semaphore_mem>>) src(%dma_wait3A_88 : memref<2048x384xf32, #tpu.memory_space<any>>) dst(%dma_wait3A_86 : memref<2048x384xf32, #tpu.memory_space<vmem>>)
      %get3A_89 = arith.index_cast %select_n3A_72 : i32 to index
      %get3A_90 = arith.constant 0 : index
      %get3A_91 = arith.constant 0 : index
      %get3A_92 = vector.load %arg11[%get3A_89, %get3A_90, %get3A_91] : memref<2x2048x384xf32, #tpu.memory_space<vmem>>, vector<1x2048x384xf32>
      %get3A_93 = vector.shape_cast %get3A_92 : vector<1x2048x384xf32> to vector<2048x384xf32>
      %add3A_94 = arith.addi %get3A_2, %while3A_58 : i32
      %lt3A_95 = vector.broadcast %add3A_94 : i32 to vector<2048x1xi32>
      %lt3A_96 = arith.cmpi slt, %lt3A_95, %get3A_7 : vector<2048x1xi32>
      %broadcast_in_dim3A_97 = vector.shape_cast %lt3A_96 : vector<2048x1xi1> to vector<2048x1xi1>
      %broadcast_in_dim3A_98 = vector.broadcast %broadcast_in_dim3A_97 : vector<2048x1xi1> to vector<2048x384xi1>
      %broadcast_in_dim3A_99 = vector.shape_cast %get3A_13 : vector<1x384xf32> to vector<1x384xf32>
      %broadcast_in_dim3A_100 = vector.broadcast %broadcast_in_dim3A_99 : vector<1x384xf32> to vector<2048x384xf32>
      %select_n3A_101 = arith.select %broadcast_in_dim3A_98, %get3A_93, %broadcast_in_dim3A_100 : vector<2048x384xi1>, vector<2048x384xf32>
      %slice3A = vector.extract_strided_slice %select_n3A_101 {offsets = [0, 0], sizes = [2048, 128], strides = [1, 1]} : vector<2048x384xf32> to vector<2048x128xf32>
      %slice3A_102 = vector.extract_strided_slice %add3A_80 {offsets = [0, 0], sizes = [2048, 128], strides = [1, 1]} : vector<2048x384xf32> to vector<2048x128xf32>
      %add3A_103 = arith.addf %slice3A, %slice3A_102 : vector<2048x128xf32>
      %logistic3A = arith.negf %add3A_103 : vector<2048x128xf32>
      %logistic3A_104 = math.exp %logistic3A : vector<2048x128xf32>
      %logistic3A_105 = arith.constant 1.000000e+00 : f32
      %logistic3A_106 = vector.broadcast %logistic3A_105 : f32 to vector<2048x128xf32>
      %logistic3A_107 = arith.addf %logistic3A_106, %logistic3A_104 : vector<2048x128xf32>
      %logistic3A_108 = arith.divf %logistic3A_106, %logistic3A_107 : vector<2048x128xf32>
      %slice3A_109 = vector.extract_strided_slice %select_n3A_101 {offsets = [0, 128], sizes = [2048, 128], strides = [1, 1]} : vector<2048x384xf32> to vector<2048x128xf32>
      %slice3A_110 = vector.extract_strided_slice %add3A_80 {offsets = [0, 128], sizes = [2048, 128], strides = [1, 1]} : vector<2048x384xf32> to vector<2048x128xf32>
      %add3A_111 = arith.addf %slice3A_109, %slice3A_110 : vector<2048x128xf32>
      %logistic3A_112 = arith.negf %add3A_111 : vector<2048x128xf32>
      %logistic3A_113 = math.exp %logistic3A_112 : vector<2048x128xf32>
      %logistic3A_114 = arith.constant 1.000000e+00 : f32
      %logistic3A_115 = vector.broadcast %logistic3A_114 : f32 to vector<2048x128xf32>
      %logistic3A_116 = arith.addf %logistic3A_115, %logistic3A_113 : vector<2048x128xf32>
      %logistic3A_117 = arith.divf %logistic3A_115, %logistic3A_116 : vector<2048x128xf32>
      %slice3A_118 = vector.extract_strided_slice %select_n3A_101 {offsets = [0, 256], sizes = [2048, 128], strides = [1, 1]} : vector<2048x384xf32> to vector<2048x128xf32>
      %slice3A_119 = vector.extract_strided_slice %add3A_80 {offsets = [0, 256], sizes = [2048, 128], strides = [1, 1]} : vector<2048x384xf32> to vector<2048x128xf32>
      %mul3A_120 = arith.mulf %logistic3A_108, %slice3A_119 : vector<2048x128xf32>
      %add3A_121 = arith.addf %slice3A_118, %mul3A_120 : vector<2048x128xf32>
      %tanh3A = math.tanh %add3A_121 : vector<2048x128xf32>
      %sub3A = arith.constant 1.000000e+00 : f32
      %sub3A_122 = vector.broadcast %sub3A : f32 to vector<2048x128xf32>
      %sub3A_123 = arith.subf %sub3A_122, %logistic3A_117 : vector<2048x128xf32>
      %mul3A_124 = arith.mulf %sub3A_123, %tanh3A : vector<2048x128xf32>
      %mul3A_125 = arith.mulf %logistic3A_117, %while3A_59 : vector<2048x128xf32>
      %add3A_126 = arith.addf %mul3A_124, %mul3A_125 : vector<2048x128xf32>
      scf.yield %add3A_126 : vector<2048x128xf32>
    }
    %swap3A = arith.constant 0 : index
    %swap3A_40 = arith.constant 0 : index
    %swap3A_41 = vector.load %arg9[%swap3A, %swap3A_40] : memref<2048x128xf32, #tpu.memory_space<vmem>>, vector<2048x128xf32>
    tpu.vector_store %arg9[%swap3A, %swap3A_40], %while3A_39 {strides = array<i32>} : memref<2048x128xf32, #tpu.memory_space<vmem>>, vector<2048x128xf32>,
    %get3A_42 = arith.constant 0 : index
    %get3A_43 = arith.constant 0 : index
    %get3A_44 = vector.load %arg5[%get3A_42, %get3A_43] : memref<128x256xf32, #tpu.memory_space<vmem>>, vector<128x256xf32>
    %dot_general3A = arith.constant dense<0.000000e+00> : vector<2048x256xf32>
    %dot_general3A_45 = tpu.matmul %while3A_39, %get3A_44, %dot_general3A {dimension_numbers = #tpu.dot_dimension_numbers<[1], [0], [0], [1], [0, 0, 1, 1], [], []>, transpose_lhs_hint = false} : vector<2048x128xf32>, vector<128x256xf32>, vector<2048x256xf32> -> vector<2048x256xf32>
    %get3A_46 = arith.constant 0 : index
    %get3A_47 = arith.constant 0 : index
    %get3A_48 = vector.load %arg8[%get3A_46, %get3A_47] : memref<1x256xf32, #tpu.memory_space<vmem>>, vector<1x256xf32>
    %add3A = vector.broadcast %get3A_48 : vector<1x256xf32> to vector<2048x256xf32>
    %add3A_49 = arith.addf %dot_general3A_45, %add3A : vector<2048x256xf32>
    %iota3A = tpu.iota {dimensions = array<i32: 0>} : vector<2048x1xi32>
    %gt3A = arith.constant 0 : i32
    %gt3A_50 = vector.broadcast %gt3A : i32 to vector<2048x1xi32>
    %gt3A_51 = arith.cmpi sgt, %get3A_7, %gt3A_50 : vector<2048x1xi32>
    %lt3A = vector.broadcast %get3A_4 : i32 to vector<2048x1xi32>
    %lt3A_52 = arith.cmpi slt, %iota3A, %lt3A : vector<2048x1xi32>
    %and3A = arith.andi %gt3A_51, %lt3A_52 : vector<2048x1xi1>
    %jit3A = arith.constant 0.000000e+00 : f32
    %broadcast_in_dim3A = vector.shape_cast %and3A : vector<2048x1xi1> to vector<2048x1xi1>
    %broadcast_in_dim3A_53 = vector.broadcast %broadcast_in_dim3A : vector<2048x1xi1> to vector<2048x256xi1>
    %broadcast_in_dim3A_54 = vector.broadcast %jit3A : f32 to vector<2048x256xf32>
    %select_n3A = arith.select %broadcast_in_dim3A_53, %add3A_49, %broadcast_in_dim3A_54 : vector<2048x256xi1>, vector<2048x256xf32>
    %swap3A_55 = arith.constant 0 : index
    %swap3A_56 = arith.constant 0 : index
    %swap3A_57 = vector.load %arg10[%swap3A_55, %swap3A_56] : memref<2048x256xf32, #tpu.memory_space<vmem>>, vector<2048x256xf32>
    tpu.vector_store %arg10[%swap3A_55, %swap3A_56], %select_n3A {strides = array<i32>} : memref<2048x256xf32, #tpu.memory_space<vmem>>, vector<2048x256xf32>,
    return
  }
}

</mosaic_0001>

<sc_bundles>
// kernel: body.8.cloned.1.call-start
scs
__scs_entry_jumppad:
0x0: {  	(pc) =	sbr.rel $0x88, $3  }
0x1: {  	(tag) =	ssettag $0x0;
	lr =	simm.s32 $0x1  }
0x2: {  	[smem:$0x3F97] =	sst lr;
	_ =	strace $0xD0000000  }
0x3: {  	_ = 	snop  }
0x4: {  	_ = 	snop  }
0x5: {  	_ = 	snop  }
0x6: {  	_ = 	snop  }
0x7: {  	_ = 	snop  }
__scs_overlays_trampoline_lowered:
0x8: {  	[smem:$0x3FA6] =	sst s0  }
0x9: {  	[smem:$0x3FA7] =	sst s1  }
0xa: {  	[smem:$0x3FA8] =	sst s2  }
0xb: {  	[smem:$0x3FA9] =	sst s3  }
0xc: {  	[smem:$0x3FAA] =	sst s4  }
0xd: {  	[smem:$0x3FAB] =	sst s5  }
0xe: {  	[smem:$0x3FAC] =	sst s6  }
0xf: {  	[smem:$0x3FAD] =	sst s7  }
0x10: {  	[smem:$0x3FAE] =	sst s8  }
0x11: {  	[smem:$0x3FAF] =	sst s9;
	s0 =	simm.s32 @!p0 $0x0  }
0x12: {  	s1 =	sld [smem:$0x3F95];
	s0 =	simm.s32 @p0 $0x1  }
0x13: {  	[smem:$0x3FB0] =	sst s0;
	s0 =	simm.s32 @!p1 $0x0  }
0x14: {  	s2 =	sld [smem:$0x3F94];
	s0 =	simm.s32 @p1 $0x1  }
0x15: {  	[smem:$0x3FB1] =	sst s0;
	s0 =	simm.s32 @!p2 $0x0  }
0x16: {  	s3 =	sld [smem:$0x3FDB];
	s0 =	simm.s32 @p2 $0x1  }
0x17: {  	s4 =	simm.s32 $0x1BF5;
	[smem:$0x3FB3] =	sst s0  }
0x18: {  	s0 =	sld [smem:$0x3F96];
	_ =	swait.ge [sflag:s4], $0x0  }
0x19: {  	s7 =	sld [smem:$0x3F97]  }
0x1a: {  	s8 =	sadd.s32 $0xFFFFE003, lr  }
0x1b: {  	s9 =	sadd.s32 $0xFFFFFEF7, lr;
	s5 =	simm.s32 $0xFFFFFFFF;
	p2 =	slt.u32 s8, $0xFFFFF086  }
0x1c: {  	p1 =	slt.u32 s9, $0xF7A;
	s5 =	simm.s32 @!p2 $0x0  }
0x1d: {  	s5 =	simm.s32 @p1 $0x1;
	p0 =	seq.s32 s7, s2  }
0x1e: {  	s7 =	smul.u32 @!p0 $0xF7A, s2;
	p2 =	seq.s32 @!p0 s5, $0x0  }
0x1f: {  	s9 =	smul.u32 $0xF7A, s1;
	s8 =	simm.s32 @!p0 $0x1BF5;
	p2 =	por !p2, p0  }
0x20: {  	[sflag:s8] =	ssyncset.s32 @!p0 $0xFFFFF086;
	s6 =	sadd.s32 @!p0 s3, s7;
	s7 =	simm.s32 @!p0 $0x108  }
0x21: {  	s3 =	sadd.s32 s3, s9;
	s6 =	sadd.s32 @!p0 $0x88, s6;
	s7 =	simm.s32 @p2 $0x1082  }
0x22: {  	[simem:s7], [sflag:s8] =	dma.local @!p0 [hbm:s6], $0xF7A  }
0x23: {  	s9 =	sor.u32 $0xD0000000, s2;
	s6 =	simm.s32 $0x108;
	_ =	swait.ge @!p0 [sflag:s8], $0x0  }
0x24: {  	s3 =	sadd.s32 $0x88, s3;
	s6 =	simm.s32 @!p1 $0x1082;
	[sflag:s4] =	ssyncset.s32 $0xFFFFF086  }
0x25: {  	[simem:s6], [sflag:s4] =	dma.local [hbm:s3], $0xF7A  }
0x26: {  	[smem:$0x3F97] =	sst s1;
	(tag) =	ssettag s2;
	_ =	strace s9  }
0x27: {  	s1 =	sld [smem:$0x3FA7]  }
0x28: {  	s2 =	sld [smem:$0x3FA8]  }
0x29: {  	s4 =	sld [smem:$0x3FAA]  }
0x2a: {  	p0 =	seq.s32 s5, $0x0;
	s5 =	sld [smem:$0x3FAB]  }
0x2b: {  	s6 =	sld [smem:$0x3FAC]  }
0x2c: {  	s7 =	sld [smem:$0x3FAD]  }
0x2d: {  	s3 =	simm.s32 $0x108;
	s8 =	sld [smem:$0x3FAE]  }
0x2e: {  	s3 =	simm.s32 @!p0 $0x1082;
	s9 =	sld [smem:$0x3FAF]  }
0x2f: {  	lr =	sadd.s32 s0, s3;
	s0 =	sld [smem:$0x3FA6]  }
0x30: {  	s3 =	sld [smem:$0x3FA9]  }
0x31: {  	[smem:$0x3FB2] =	sst s10  }
0x32: {  	s10 =	sld [smem:$0x3FB0];
	_ =	sdelay $0x3  }
0x33: {  	p0 =	seq.s32 s10, $0x1;
	s10 =	sld [smem:$0x3FB2];
	_ =	sdelay $0x3  }
0x34: {  	[smem:$0x3FB2] =	sst s10  }
0x35: {  	s10 =	sld [smem:$0x3FB1];
	_ =	sdelay $0x3  }
0x36: {  	p1 =	seq.s32 s10, $0x1;
	s10 =	sld [smem:$0x3FB2];
	_ =	sdelay $0x3  }
0x37: {  	[smem:$0x3FB2] =	sst s10  }
0x38: {  	s10 =	sld [smem:$0x3FB3]  }
0x39: {  	_ = 	snop;
	(pc) =	sbr.ind lr, $3  }
0x3a: {  	_ = 	snop  }
0x3b: {  	_ = 	snop  }
0x3c: {  	p2 =	seq.s32 s10, $0x1;
	s10 =	sld [smem:$0x3FB2]  }
0x3d: {  	_ =	shalt  }
0x3e: {  	_ =	shalt  }
0x3f: {  	_ =	shalt  }
0x40: {  	_ =	shalt  }
0x41: {  	_ =	shalt  }
0x42: {  	_ =	shalt  }
0x43: {  	_ =	shalt  }
0x44: {  	_ =	shalt  }
0x45: {  	_ =	shalt  }
0x46: {  	_ =	shalt  }
0x47: {  	_ =	shalt  }
0x48: {  	_ =	shalt  }
0x49: {  	_ =	shalt  }
0x4a: {  	_ =	shalt  }
0x4b: {  	_ =	shalt  }
0x4c: {  	_ =	shalt  }
0x4d: {  	_ =	shalt  }
0x4e: {  	_ =	shalt  }
0x4f: {  	_ =	shalt  }
0x50: {  	_ =	shalt  }
0x51: {  	_ =	shalt  }
0x52: {  	_ =	shalt  }
0x53: {  	_ =	shalt  }
0x54: {  	_ =	shalt  }
0x55: {  	_ =	shalt  }
0x56: {  	_ =	shalt  }
0x57: {  	_ =	shalt  }
0x58: {  	_ =	shalt  }
0x59: {  	_ =	shalt  }
0x5a: {  	_ =	shalt  }
0x5b: {  	_ =	shalt  }
0x5c: {  	_ =	shalt  }
0x5d: {  	_ =	shalt  }
0x5e: {  	_ =	shalt  }
0x5f: {  	_ =	shalt  }
0x60: {  	_ =	shalt  }
0x61: {  	_ =	shalt  }
0x62: {  	_ =	shalt  }
0x63: {  	_ =	shalt  }
0x64: {  	_ =	shalt  }
0x65: {  	_ =	shalt  }
0x66: {  	_ =	shalt  }
0x67: {  	_ =	shalt  }
0x68: {  	_ =	shalt  }
0x69: {  	_ =	shalt  }
0x6a: {  	_ =	shalt  }
0x6b: {  	_ =	shalt  }
0x6c: {  	_ =	shalt  }
0x6d: {  	_ =	shalt  }
0x6e: {  	_ =	shalt  }
0x6f: {  	_ =	shalt  }
0x70: {  	_ =	shalt  }
0x71: {  	_ =	shalt  }
0x72: {  	_ =	shalt  }
0x73: {  	_ =	shalt  }
0x74: {  	_ =	shalt  }
0x75: {  	_ =	shalt  }
0x76: {  	_ =	shalt  }
0x77: {  	_ =	shalt  }
0x78: {  	_ =	shalt  }
0x79: {  	_ =	shalt  }
0x7a: {  	_ =	shalt  }
0x7b: {  	_ =	shalt  }
0x7c: {  	_ =	shalt  }
0x7d: {  	_ =	shalt  }
0x7e: {  	_ =	shalt  }
0x7f: {  	_ =	shalt  }
0x80: {  	_ =	shalt  }
0x81: {  	_ =	shalt  }
0x82: {  	_ =	shalt  }
0x83: {  	_ =	shalt  }
0x84: {  	_ =	shalt  }
0x85: {  	_ =	shalt  }
0x86: {  	_ =	shalt  }
0x87: {  	_ =	shalt  }
.Lfunc_end0:
.L_simem_size_0:
called_computation.1_lowered:
.L_overlay_start_0:
0x88: {  	s2 =	sld [smem:$0x3FD9]  }
0x89: {  	s3 =	sld [smem:$0x3FFE];
	_ =	sdelay $0x1  }
0x8a: {  	s1 =	srdreg.scid  }
0x8b: {  	s0 =	sand.u32 $0x1, s1  }
0x8c: {  	s17 =	sshll.u32 s0, $0xA;
	s2 =	sadd.s32 s3, s2  }
0x8d: {  	s2 =	sadd.s32 s2, s17  }
0x8e: {  	[smem:$0x3FBE] =	sst s2  }
0x8f: {  	_ = 	snop  }
0x90: {  	s2 =	sld [smem:$0x3FD0];
	(tm) =	ssettm $0x1  }
0x91: {  	s18 =	sld [smem:$0x3FFB];
	_ =	sdelay $0x3  }
0x92: {  	_ =	strace s18  }
0x93: {  	s3 =	sld [smem:$0x3FFC];
	_ =	sdelay $0x3  }
0x94: {  	_ =	strace s3  }
0x95: {  	s3 =	sld [smem:$0x3FFD];
	_ =	sdelay $0x3  }
0x96: {  	_ =	strace s3  }
0x97: {  	_ =	strace $0x8FFFFFFF  }
0x98: {  	s19 =	sld [smem:$0x3FDB];
	_ =	sdelay $0x1  }
0x99: {  	s4 =	simm.s32 $_scs_section_size  }
0x9a: {  	s5 =	simm.s32 $_size__tile_overlayer_lowered;
	s6 =	simm.s32 $_tile_overlayer_lowered  }
0x9b: {  	s22 =	simm.s32 $0x1BFF;
	s21 =	sshll.u32 s6, $0x1;
	s3 =	sadd.s32 s4, s19  }
0x9c: {  	s7 =	simm.s32 $0x0;
	s20 =	sshll.u32 s5, $0x1;
	s5 =	sadd.s32 s21, s3  }
0x9d: {  	[timem:s7], [sflag:s22] =	dma.local [hbm:s5], s20  }
0x9e: {  	_ =	swait.ge [sflag:s22], s20  }
0x9f: {  	s4 =	ssub.s32 $0x0, s20;
	[sflag:s22] =	ssyncset.done $0x0  }
0xa0: {  	[sflag:s22] =	ssyncadd.s32 s4;
	_ =	sdelay $0x1  }
0xa1: {  	s23 =	simm.s32 $0x1B8B  }
0xa2: {  	_ =	swait.ge [sflag:s23], $0x1  }
0xa3: {  	[sflag:s23] =	ssyncset.done $0x0  }
0xa4: {  	s25 =	simm.s32 $0x1B8E;
	s24 =	sld [smem:$0x3FFE];
	[sflag:s23] =	ssyncadd.s32 $0xFFFFFFFF  }
0xa5: {  	s26 =	simm.s32 $execute0_lowered;
	[smem:$0x3FD2] =	sst s25  }
0xa6: {  	s5 =	sshll.u32 s26, $0x1;
	_ =	strace $0x80000049;
	[dreg:$0x1] =	wrdreg $0xFFFFFFFF  }
0xa7: {  	s28 =	simm.s32 $_size_execute0_lowered;
	s3 =	sadd.s32 s3, s5;
	[dreg:$0x0] =	wrdreg $0x0  }
0xa8: {  	s5 =	sshll.u32 s28, $0x1;
	[dreg:$0x2] =	wrdreg s3  }
0xa9: {  	[dreg:$0x3] =	wrdreg s5  }
0xaa: {  	[dreg:$0x4] =	wrdreg $0xC0  }
0xab: {  	_ =	task [dreg:s7], $0x5FFFF  }
0xac: {  	[dreg:$0x1] =	wrdreg $0xFFFFFFFF  }
0xad: {  	[dreg:$0x0] =	wrdreg $0x60  }
0xae: {  	[dreg:$0x2] =	wrdreg s24  }
0xaf: {  	[dreg:$0x3] =	wrdreg s2  }
0xb0: {  	[dreg:$0x4] =	wrdreg $0x9  }
0xb1: {  	_ =	task.clear_ibuf [dreg:s7], $0x5FFFF;
	_ =	strace $0x90000049  }
0xb2: {  	s29 =	simm.s32 $0x9;
	_ =	strace $0x8000004B  }
0xb3: {  	_ =	swait.ge [sflag:s29], $0x1  }
0xb4: {  	[sflag:s29] =	ssyncadd.s32 $0xFFFFFFFF  }
0xb5: {  	_ =	strace $0x9000004B  }
0xb6: {  	_ =	sfence  }
0xb7: {  	s30 =	sld [smem:$0x0];
	_ =	sdelay $0x2  }
0xb8: {  	s31 =	sshll.u32 s1, $0xD;
	s1 =	sshrl.u32 s1, $0x2  }
0xb9: {  	s3 =	sand.u32 $0x4000, s31;
	s1 =	sadd.s32 s1, s30  }
0xba: {  	s0 =	sor.u32 s3, s0;
	s1 =	sshll.u32 s1, $0x11  }
0xbb: {  	s0 =	sor.u32 s1, s0  }
0xbc: {  	s0 =	sadd.s32 $0x8F2B, s0  }
0xbd: {  	[sflag:s0] =	ssyncadd.remote.s32 $0x1  }
0xbe: {  	_ =	sfence.sel $0xFFFF  }
0xbf: {  	[dreg:$0x0] =	wrdreg $0xFFFFFFFF;
	(pc) =	sbr.abs _section_cstart, $3  }
0xc0: {  	[dreg:$0x1] =	wrdreg $0xFFFFFFFF  }
0xc1: {  	_ =	task.clear_ibuf [dreg:s7], $0x2FFFF;
	_ =	strace $0x9FFFFFFF  }
0xc2: {  	(tm) =	ssettm $0x7FFFFFFF  }
0xc3: {  	_ =	shalt  }
tec
execute0_lowered:
.L_overlay_start_1:
0x0: {  	(tag) =	ssettag $0x1  }
0x1: {  	s0 =	rddreg [dreg:$0x0]  }
0x2: {  	s1 =	rddreg [dreg:$0x1]  }
0x3: {  	s3 =	srdreg.scid;
	s2 =	simm.s32 $0x0;
	s5 =	stileid.u32  }
0x4: {  	s31 =	simm.s32 $0x200;
	s4 =	sand.u32 $0x1, s3;
	[smem:$0x7FF] =	sst s2  }
0x5: {  	s29 =	sshll.u32 s5, $0x7;
	s3 =	sadd.s32 $0x1600, s0;
	s30 =	sshll.u32 s4, $0x6  }
0x6: {  	_ =	strace $0x8000004A;
	s7 =	ssub.s32 $0x2, s4;
	s4 =	sadd.s32 $0xC1E00, s0  }
0x7: {  	[dreg:$0x5] =	wrdreg s31;
	s5 =	sor.u32 s30, s29;
	s8 =	sshrl.u32 s7, $0x1  }
0x8: {  	v2 =	vlaneseq.u32;
	s6 =	sadd.s32 s5, s0;
	s7 =	ssub.s32 s7, s8;
	s1 =	sadd.s32 s1, s5  }
0x9: {  	vm0 =	vmmov $0xffff;
	vm1 =	vmmov $0xff;
	v1 =	vshrl.u32 v2, $0x3;
	s5 =	sadd.s32 $0x1700, s0;
	s6 =	sadd.s32 $0xA00, s6;
	[dreg:$0x4] =	wrdreg s1  }
0xa: {  	v0 =	vand.u32 $0x7, v2;
	v2 =	vor.u32 $0x8, v2;
	v1 =	vmul.u32 $0x8, v1;
	s1 =	smax.u32 s7, $0x1;
	[dreg:$0x3] =	wrdreg s6;
	s6 =	sadd.s32 $0xC1F00, s0  }
.LBB2_1:
0xb: {  	s30 =	rddreg [dreg:$0x3];
	s0 =	simm.s32 $0x5  }
0xc: {  	[tilespmem:s2], [sflag:$0x5] =	stream.linear.gather [hbm4b:s30+s2], $0x200, $0x38;
	[tilespmem:$0x18400] =	vst v63  }
0xd: {  	_ =	swait.ge [sflag:s0], $0x200  }
0xe: {  	s16 =	rddreg [dreg:$0x4];
	[sflag:s0] =	ssyncset.done $0x0  }
0xf: {  	s31 =	rddreg [dreg:$0x5];
	[sflag:s0] =	ssyncadd.s32 $0xFFFFFE00  }
0x10: {  	[tilespmem:s31], [sflag:$0x5] =	stream.linear.gather [hbm4b:s16+s2], $0x200, $0x38;
	[tilespmem:$0x18400] =	vst v63  }
0x11: {  	_ =	swait.ge [sflag:s0], $0x200  }
0x12: {  	[sflag:s0] =	ssyncset.done $0x0  }
0x13: {  	[sflag:s0] =	ssyncadd.s32 $0xFFFFFE00  }
0x14: {  	v3 =	vld [tilespmem:$0x0];
	_ =	sdelay $0x4  }
0x15: {  	v4 =	vshrl.u32 v3, $0x3  }
0x16: {  	v4 =	vmul.u32 $0x18, v4  }
0x17: {  	v3 =	vand.u32 $0x7, v3  }
0x18: {  	v3 =	vor.u32 v3, v4  }
0x19: {  	v4 =	vperm.xlane v3, v0;
	_ =	sdelay $0x1  }
0x1a: {  	v4 =	vadd.s32 v1, v4;
	_ =	sdelay $0x1  }
0x1b: {  	v3 =	vperm.xlane v3, v2;
	_ =	sdelay $0x1  }
0x1c: {  	s17 =	simm.s32 $0x400;
	v3 =	vadd.s32 v1, v3  }
0x1d: {  	[tilespmem:s17], [sflag:$0x1] =	stream.indirect_vreg.gather [hbm4b:s3+s2], $0x80, v4, vm0, $0xb8;
	[tilespmem:$0x18400] =	vst v63  }
0x1e: {  	s18 =	simm.s32 $0xC00  }
0x1f: {  	[tilespmem:s18], [sflag:$0x1] =	stream.indirect_vreg.gather [hbm4b:s5+s2], $0x80, v4, vm1, $0xb8;
	[tilespmem:$0x18400] =	vst v63  }
0x20: {  	s19 =	simm.s32 $0x1000  }
0x21: {  	[tilespmem:s19], [sflag:$0x1] =	stream.indirect_vreg.gather [hbm4b:s3+s2], $0x80, v3, vm0, $0xb8;
	[tilespmem:$0x18400] =	vst v63  }
0x22: {  	s20 =	simm.s32 $0x1800  }
0x23: {  	[tilespmem:s20], [sflag:$0x1] =	stream.indirect_vreg.gather [hbm4b:s5+s2], $0x80, v3, vm1, $0xb8;
	[tilespmem:$0x18400] =	vst v63  }
0x24: {  	v3 =	vld [tilespmem:$0x10];
	_ =	sdelay $0x4  }
0x25: {  	v57 =	vshrl.u32 v3, $0x3  }
0x26: {  	v4 =	vmul.u32 $0x18, v57  }
0x27: {  	v3 =	vand.u32 $0x7, v3  }
0x28: {  	v3 =	vor.u32 v3, v4  }
0x29: {  	v4 =	vperm.xlane v3, v0;
	_ =	sdelay $0x1  }
0x2a: {  	v4 =	vadd.s32 v1, v4;
	_ =	sdelay $0x1  }
0x2b: {  	v3 =	vperm.xlane v3, v2;
	_ =	sdelay $0x1  }
0x2c: {  	s21 =	simm.s32 $0x1C00;
	v3 =	vadd.s32 v1, v3  }
0x2d: {  	[tilespmem:s21], [sflag:$0x1] =	stream.indirect_vreg.gather [hbm4b:s3+s2], $0x80, v4, vm0, $0xb8;
	[tilespmem:$0x18400] =	vst v63  }
0x2e: {  	s22 =	simm.s32 $0x2400  }
0x2f: {  	[tilespmem:s22], [sflag:$0x1] =	stream.indirect_vreg.gather [hbm4b:s5+s2], $0x80, v4, vm1, $0xb8;
	[tilespmem:$0x18400] =	vst v63  }
0x30: {  	s23 =	simm.s32 $0x2800  }
0x31: {  	[tilespmem:s23], [sflag:$0x1] =	stream.indirect_vreg.gather [hbm4b:s3+s2], $0x80, v3, vm0, $0xb8;
	[tilespmem:$0x18400] =	vst v63  }
0x32: {  	s24 =	simm.s32 $0x3000  }
0x33: {  	[tilespmem:s24], [sflag:$0x1] =	stream.indirect_vreg.gather [hbm4b:s5+s2], $0x80, v3, vm1, $0xb8;
	[tilespmem:$0x18400] =	vst v63  }
0x34: {  	v3 =	vld [tilespmem:$0x20];
	_ =	sdelay $0x4  }
0x35: {  	v58 =	vshrl.u32 v3, $0x3  }
0x36: {  	v4 =	vmul.u32 $0x18, v58  }
0x37: {  	v3 =	vand.u32 $0x7, v3  }
0x38: {  	v3 =	vor.u32 v3, v4  }
0x39: {  	v4 =	vperm.xlane v3, v0;
	_ =	sdelay $0x1  }
0x3a: {  	v4 =	vadd.s32 v1, v4;
	_ =	sdelay $0x1  }
0x3b: {  	v3 =	vperm.xlane v3, v2;
	_ =	sdelay $0x1  }
0x3c: {  	s25 =	simm.s32 $0x3400;
	v3 =	vadd.s32 v1, v3  }
0x3d: {  	[tilespmem:s25], [sflag:$0x1] =	stream.indirect_vreg.gather [hbm4b:s3+s2], $0x80, v4, vm0, $0xb8;
	[tilespmem:$0x18400] =	vst v63  }
0x3e: {  	s26 =	simm.s32 $0x3C00  }
0x3f: {  	[tilespmem:s26], [sflag:$0x1] =	stream.indirect_vreg.gather [hbm4b:s5+s2], $0x80, v4, vm1, $0xb8;
	[tilespmem:$0x18400] =	vst v63  }
0x40: {  	s28 =	simm.s32 $0x4000  }
0x41: {  	[tilespmem:s28], [sflag:$0x1] =	stream.indirect_vreg.gather [hbm4b:s3+s2], $0x80, v3, vm0, $0xb8;
	[tilespmem:$0x18400] =	vst v63  }
0x42: {  	s29 =	simm.s32 $0x4800  }
0x43: {  	[tilespmem:s29], [sflag:$0x1] =	stream.indirect_vreg.gather [hbm4b:s5+s2], $0x80, v3, vm1, $0xb8;
	[tilespmem:$0x18400] =	vst v63  }
0x44: {  	v3 =	vld [tilespmem:$0x30];
	_ =	sdelay $0x4  }
0x45: {  	v59 =	vshrl.u32 v3, $0x3  }
0x46: {  	v4 =	vmul.u32 $0x18, v59  }
0x47: {  	v3 =	vand.u32 $0x7, v3  }
0x48: {  	v3 =	vor.u32 v3, v4  }
0x49: {  	v4 =	vperm.xlane v3, v0;
	_ =	sdelay $0x1  }
0x4a: {  	v4 =	vadd.s32 v1, v4;
	_ =	sdelay $0x1  }
0x4b: {  	v3 =	vperm.xlane v3, v2;
	_ =	sdelay $0x1  }
0x4c: {  	s30 =	simm.s32 $0x4C00;
	v3 =	vadd.s32 v1, v3  }
0x4d: {  	[tilespmem:s30], [sflag:$0x1] =	stream.indirect_vreg.gather [hbm4b:s3+s2], $0x80, v4, vm0, $0xb8;
	[tilespmem:$0x18400] =	vst v63  }
0x4e: {  	s31 =	simm.s32 $0x5400  }
0x4f: {  	[tilespmem:s31], [sflag:$0x1] =	stream.indirect_vreg.gather [hbm4b:s5+s2], $0x80, v4, vm1, $0xb8;
	[tilespmem:$0x18400] =	vst v63  }
0x50: {  	s7 =	simm.s32 $0x5800  }
0x51: {  	[tilespmem:s7], [sflag:$0x1] =	stream.indirect_vreg.gather [hbm4b:s3+s2], $0x80, v3, vm0, $0xb8;
	[tilespmem:$0x18400] =	vst v63  }
0x52: {  	s8 =	simm.s32 $0x6000  }
0x53: {  	[tilespmem:s8], [sflag:$0x1] =	stream.indirect_vreg.gather [hbm4b:s5+s2], $0x80, v3, vm1, $0xb8;
	[tilespmem:$0x18400] =	vst v63  }
0x54: {  	v3 =	vld [tilespmem:$0x40];
	_ =	sdelay $0x4  }
0x55: {  	v60 =	vshrl.u32 v3, $0x3  }
0x56: {  	v4 =	vmul.u32 $0x18, v60  }
0x57: {  	v3 =	vand.u32 $0x7, v3  }
0x58: {  	v3 =	vor.u32 v3, v4  }
0x59: {  	v4 =	vperm.xlane v3, v0;
	_ =	sdelay $0x1  }
0x5a: {  	v4 =	vadd.s32 v1, v4;
	_ =	sdelay $0x1  }
0x5b: {  	v3 =	vperm.xlane v3, v2;
	_ =	sdelay $0x1  }
0x5c: {  	s9 =	simm.s32 $0x6400;
	v3 =	vadd.s32 v1, v3  }
0x5d: {  	[tilespmem:s9], [sflag:$0x1] =	stream.indirect_vreg.gather [hbm4b:s3+s2], $0x80, v4, vm0, $0xb8;
	[tilespmem:$0x18400] =	vst v63  }
0x5e: {  	s10 =	simm.s32 $0x6C00  }
0x5f: {  	[tilespmem:s10], [sflag:$0x1] =	stream.indirect_vreg.gather [hbm4b:s5+s2], $0x80, v4, vm1, $0xb8;
	[tilespmem:$0x18400] =	vst v63  }
0x60: {  	s11 =	simm.s32 $0x7000  }
0x61: {  	[tilespmem:s11], [sflag:$0x1] =	stream.indirect_vreg.gather [hbm4b:s3+s2], $0x80, v3, vm0, $0xb8;
	[tilespmem:$0x18400] =	vst v63  }
0x62: {  	s12 =	simm.s32 $0x7800  }
0x63: {  	[tilespmem:s12], [sflag:$0x1] =	stream.indirect_vreg.gather [hbm4b:s5+s2], $0x80, v3, vm1, $0xb8;
	[tilespmem:$0x18400] =	vst v63  }
0x64: {  	v3 =	vld [tilespmem:$0x50];
	_ =	sdelay $0x4  }
0x65: {  	v61 =	vshrl.u32 v3, $0x3  }
0x66: {  	v4 =	vmul.u32 $0x18, v61  }
0x67: {  	v3 =	vand.u32 $0x7, v3  }
0x68: {  	v3 =	vor.u32 v3, v4  }
0x69: {  	v4 =	vperm.xlane v3, v0;
	_ =	sdelay $0x1  }
0x6a: {  	v4 =	vadd.s32 v1, v4;
	_ =	sdelay $0x1  }
0x6b: {  	v3 =	vperm.xlane v3, v2;
	_ =	sdelay $0x1  }
0x6c: {  	s13 =	simm.s32 $0x7C00;
	v3 =	vadd.s32 v1, v3  }
0x6d: {  	[tilespmem:s13], [sflag:$0x1] =	stream.indirect_vreg.gather [hbm4b:s3+s2], $0x80, v4, vm0, $0xb8;
	[tilespmem:$0x18400] =	vst v63  }
0x6e: {  	s14 =	simm.s32 $0x8400  }
0x6f: {  	[tilespmem:s14], [sflag:$0x1] =	stream.indirect_vreg.gather [hbm4b:s5+s2], $0x80, v4, vm1, $0xb8;
	[tilespmem:$0x18400] =	vst v63  }
0x70: {  	s15 =	simm.s32 $0x8800  }
0x71: {  	[tilespmem:s15], [sflag:$0x1] =	stream.indirect_vreg.gather [hbm4b:s3+s2], $0x80, v3, vm0, $0xb8;
	[tilespmem:$0x18400] =	vst v63  }
0x72: {  	s16 =	simm.s32 $0x9000  }
0x73: {  	[tilespmem:s16], [sflag:$0x1] =	stream.indirect_vreg.gather [hbm4b:s5+s2], $0x80, v3, vm1, $0xb8;
	[tilespmem:$0x18400] =	vst v63  }
0x74: {  	v3 =	vld [tilespmem:$0x60];
	_ =	sdelay $0x4  }
0x75: {  	v62 =	vshrl.u32 v3, $0x3  }
0x76: {  	v4 =	vmul.u32 $0x18, v62  }
0x77: {  	v3 =	vand.u32 $0x7, v3  }
0x78: {  	v3 =	vor.u32 v3, v4  }
0x79: {  	v4 =	vperm.xlane v3, v0;
	_ =	sdelay $0x1  }
0x7a: {  	v4 =	vadd.s32 v1, v4;
	_ =	sdelay $0x1  }
0x7b: {  	v3 =	vperm.xlane v3, v2;
	_ =	sdelay $0x1  }
0x7c: {  	s17 =	simm.s32 $0x9400;
	v3 =	vadd.s32 v1, v3  }
0x7d: {  	[tilespmem:s17], [sflag:$0x1] =	stream.indirect_vreg.gather [hbm4b:s3+s2], $0x80, v4, vm0, $0xb8;
	[tilespmem:$0x18400] =	vst v63  }
0x7e: {  	s18 =	simm.s32 $0x9C00  }
0x7f: {  	[tilespmem:s18], [sflag:$0x1] =	stream.indirect_vreg.gather [hbm4b:s5+s2], $0x80, v4, vm1, $0xb8;
	[tilespmem:$0x18400] =	vst v63  }
0x80: {  	s19 =	simm.s32 $0xA000  }
0x81: {  	[tilespmem:s19], [sflag:$0x1] =	stream.indirect_vreg.gather [hbm4b:s3+s2], $0x80, v3, vm0, $0xb8;
	[tilespmem:$0x18400] =	vst v63  }
0x82: {  	s20 =	simm.s32 $0xA800  }
0x83: {  	[tilespmem:s20], [sflag:$0x1] =	stream.indirect_vreg.gather [hbm4b:s5+s2], $0x80, v3, vm1, $0xb8;
	[tilespmem:$0x18400] =	vst v63  }
0x84: {  	v3 =	vld [tilespmem:$0x70];
	_ =	sdelay $0x4  }
0x85: {  	v63 =	vshrl.u32 v3, $0x3  }
0x86: {  	v4 =	vmul.u32 $0x18, v63  }
0x87: {  	v3 =	vand.u32 $0x7, v3  }
0x88: {  	v3 =	vor.u32 v3, v4  }
0x89: {  	v4 =	vperm.xlane v3, v0;
	_ =	sdelay $0x1  }
0x8a: {  	v4 =	vadd.s32 v1, v4;
	_ =	sdelay $0x1  }
0x8b: {  	v3 =	vperm.xlane v3, v2;
	_ =	sdelay $0x1  }
0x8c: {  	s21 =	simm.s32 $0xAC00;
	v3 =	vadd.s32 v1, v3  }
0x8d: {  	[tilespmem:s21], [sflag:$0x1] =	stream.indirect_vreg.gather [hbm4b:s3+s2], $0x80, v4, vm0, $0xb8;
	[tilespmem:$0x18400] =	vst v63  }
0x8e: {  	s22 =	simm.s32 $0xB400  }
0x8f: {  	[tilespmem:s22], [sflag:$0x1] =	stream.indirect_vreg.gather [hbm4b:s5+s2], $0x80, v4, vm1, $0xb8;
	[tilespmem:$0x18400] =	vst v63  }
0x90: {  	s23 =	simm.s32 $0xB800  }
0x91: {  	[tilespmem:s23], [sflag:$0x1] =	stream.indirect_vreg.gather [hbm4b:s3+s2], $0x80, v3, vm0, $0xb8;
	[tilespmem:$0x18400] =	vst v63  }
0x92: {  	s24 =	simm.s32 $0xC000  }
0x93: {  	[tilespmem:s24], [sflag:$0x1] =	stream.indirect_vreg.gather [hbm4b:s5+s2], $0x80, v3, vm1, $0xb8;
	[tilespmem:$0x18400] =	vst v63  }
0x94: {  	v3 =	vld [tilespmem:$0x80];
	_ =	sdelay $0x4  }
0x95: {  	v8 =	vshrl.u32 v3, $0x3  }
0x96: {  	v4 =	vmul.u32 $0x18, v8  }
0x97: {  	v3 =	vand.u32 $0x7, v3  }
0x98: {  	v3 =	vor.u32 v3, v4  }
0x99: {  	v4 =	vperm.xlane v3, v0;
	_ =	sdelay $0x1  }
0x9a: {  	v4 =	vadd.s32 v1, v4;
	_ =	sdelay $0x1  }
0x9b: {  	v3 =	vperm.xlane v3, v2;
	_ =	sdelay $0x1  }
0x9c: {  	s25 =	simm.s32 $0xC400;
	v3 =	vadd.s32 v1, v3  }
0x9d: {  	[tilespmem:s25], [sflag:$0x2] =	stream.indirect_vreg.gather [hbm4b:s3+s2], $0x80, v4, vm0, $0xb8;
	[tilespmem:$0x18400] =	vst v63  }
0x9e: {  	s26 =	simm.s32 $0xCC00  }
0x9f: {  	[tilespmem:s26], [sflag:$0x2] =	stream.indirect_vreg.gather [hbm4b:s5+s2], $0x80, v4, vm1, $0xb8;
	[tilespmem:$0x18400] =	vst v63  }
0xa0: {  	s28 =	simm.s32 $0xD000  }
0xa1: {  	[tilespmem:s28], [sflag:$0x2] =	stream.indirect_vreg.gather [hbm4b:s3+s2], $0x80, v3, vm0, $0xb8;
	[tilespmem:$0x18400] =	vst v63  }
0xa2: {  	s29 =	simm.s32 $0xD800  }
0xa3: {  	[tilespmem:s29], [sflag:$0x2] =	stream.indirect_vreg.gather [hbm4b:s5+s2], $0x80, v3, vm1, $0xb8;
	[tilespmem:$0x18400] =	vst v63  }
0xa4: {  	v3 =	vld [tilespmem:$0x90];
	_ =	sdelay $0x4  }
0xa5: {  	v9 =	vshrl.u32 v3, $0x3  }
0xa6: {  	v4 =	vmul.u32 $0x18, v9  }
0xa7: {  	v3 =	vand.u32 $0x7, v3  }
0xa8: {  	v3 =	vor.u32 v3, v4  }
0xa9: {  	v4 =	vperm.xlane v3, v0;
	_ =	sdelay $0x1  }
0xaa: {  	v4 =	vadd.s32 v1, v4;
	_ =	sdelay $0x1  }
0xab: {  	v3 =	vperm.xlane v3, v2;
	_ =	sdelay $0x1  }
0xac: {  	s30 =	simm.s32 $0xDC00;
	v3 =	vadd.s32 v1, v3  }
0xad: {  	[tilespmem:s30], [sflag:$0x2] =	stream.indirect_vreg.gather [hbm4b:s3+s2], $0x80, v4, vm0, $0xb8;
	[tilespmem:$0x18400] =	vst v63  }
0xae: {  	s31 =	simm.s32 $0xE400  }
0xaf: {  	[tilespmem:s31], [sflag:$0x2] =	stream.indirect_vreg.gather [hbm4b:s5+s2], $0x80, v4, vm1, $0xb8;
	[tilespmem:$0x18400] =	vst v63  }
0xb0: {  	s7 =	simm.s32 $0xE800  }
0xb1: {  	[tilespmem:s7], [sflag:$0x2] =	stream.indirect_vreg.gather [hbm4b:s3+s2], $0x80, v3, vm0, $0xb8;
	[tilespmem:$0x18400] =	vst v63  }
0xb2: {  	s8 =	simm.s32 $0xF000  }
0xb3: {  	[tilespmem:s8], [sflag:$0x2] =	stream.indirect_vreg.gather [hbm4b:s5+s2], $0x80, v3, vm1, $0xb8;
	[tilespmem:$0x18400] =	vst v63  }
0xb4: {  	v3 =	vld [tilespmem:$0xA0];
	_ =	sdelay $0x4  }
0xb5: {  	v10 =	vshrl.u32 v3, $0x3  }
0xb6: {  	v4 =	vmul.u32 $0x18, v10  }
0xb7: {  	v3 =	vand.u32 $0x7, v3  }
0xb8: {  	v3 =	vor.u32 v3, v4  }
0xb9: {  	v4 =	vperm.xlane v3, v0;
	_ =	sdelay $0x1  }
0xba: {  	v4 =	vadd.s32 v1, v4;
	_ =	sdelay $0x1  }
0xbb: {  	v3 =	vperm.xlane v3, v2;
	_ =	sdelay $0x1  }
0xbc: {  	s9 =	simm.s32 $0xF400;
	v3 =	vadd.s32 v1, v3  }
0xbd: {  	[tilespmem:s9], [sflag:$0x2] =	stream.indirect_vreg.gather [hbm4b:s3+s2], $0x80, v4, vm0, $0xb8;
	[tilespmem:$0x18400] =	vst v63  }
0xbe: {  	s10 =	simm.s32 $0xFC00  }
0xbf: {  	[tilespmem:s10], [sflag:$0x2] =	stream.indirect_vreg.gather [hbm4b:s5+s2], $0x80, v4, vm1, $0xb8;
	[tilespmem:$0x18400] =	vst v63  }
0xc0: {  	s11 =	simm.s32 $0x10000  }
0xc1: {  	[tilespmem:s11], [sflag:$0x2] =	stream.indirect_vreg.gather [hbm4b:s3+s2], $0x80, v3, vm0, $0xb8;
	[tilespmem:$0x18400] =	vst v63  }
0xc2: {  	s12 =	simm.s32 $0x10800  }
0xc3: {  	[tilespmem:s12], [sflag:$0x2] =	stream.indirect_vreg.gather [hbm4b:s5+s2], $0x80, v3, vm1, $0xb8;
	[tilespmem:$0x18400] =	vst v63  }
0xc4: {  	v3 =	vld [tilespmem:$0xB0];
	_ =	sdelay $0x4  }
0xc5: {  	v11 =	vshrl.u32 v3, $0x3  }
0xc6: {  	v4 =	vmul.u32 $0x18, v11  }
0xc7: {  	v3 =	vand.u32 $0x7, v3  }
0xc8: {  	v3 =	vor.u32 v3, v4  }
0xc9: {  	v4 =	vperm.xlane v3, v0;
	_ =	sdelay $0x1  }
0xca: {  	v4 =	vadd.s32 v1, v4;
	_ =	sdelay $0x1  }
0xcb: {  	v3 =	vperm.xlane v3, v2;
	_ =	sdelay $0x1  }
0xcc: {  	s13 =	simm.s32 $0x10C00;
	v3 =	vadd.s32 v1, v3  }
0xcd: {  	[tilespmem:s13], [sflag:$0x2] =	stream.indirect_vreg.gather [hbm4b:s3+s2], $0x80, v4, vm0, $0xb8;
	[tilespmem:$0x18400] =	vst v63  }
0xce: {  	s14 =	simm.s32 $0x11400  }
0xcf: {  	[tilespmem:s14], [sflag:$0x2] =	stream.indirect_vreg.gather [hbm4b:s5+s2], $0x80, v4, vm1, $0xb8;
	[tilespmem:$0x18400] =	vst v63  }
0xd0: {  	s15 =	simm.s32 $0x11800  }
0xd1: {  	[tilespmem:s15], [sflag:$0x2] =	stream.indirect_vreg.gather [hbm4b:s3+s2], $0x80, v3, vm0, $0xb8;
	[tilespmem:$0x18400] =	vst v63  }
0xd2: {  	s16 =	simm.s32 $0x12000  }
0xd3: {  	[tilespmem:s16], [sflag:$0x2] =	stream.indirect_vreg.gather [hbm4b:s5+s2], $0x80, v3, vm1, $0xb8;
	[tilespmem:$0x18400] =	vst v63  }
0xd4: {  	v3 =	vld [tilespmem:$0xC0];
	_ =	sdelay $0x4  }
0xd5: {  	v12 =	vshrl.u32 v3, $0x3  }
0xd6: {  	v4 =	vmul.u32 $0x18, v12  }
0xd7: {  	v3 =	vand.u32 $0x7, v3  }
0xd8: {  	v3 =	vor.u32 v3, v4  }
0xd9: {  	v4 =	vperm.xlane v3, v0;
	_ =	sdelay $0x1  }
0xda: {  	v4 =	vadd.s32 v1, v4;
	_ =	sdelay $0x1  }
0xdb: {  	v3 =	vperm.xlane v3, v2;
	_ =	sdelay $0x1  }
0xdc: {  	s17 =	simm.s32 $0x12400;
	v3 =	vadd.s32 v1, v3  }
0xdd: {  	[tilespmem:s17], [sflag:$0x2] =	stream.indirect_vreg.gather [hbm4b:s3+s2], $0x80, v4, vm0, $0xb8;
	[tilespmem:$0x18400] =	vst v63  }
0xde: {  	s18 =	simm.s32 $0x12C00  }
0xdf: {  	[tilespmem:s18], [sflag:$0x2] =	stream.indirect_vreg.gather [hbm4b:s5+s2], $0x80, v4, vm1, $0xb8;
	[tilespmem:$0x18400] =	vst v63  }
0xe0: {  	s19 =	simm.s32 $0x13000  }
0xe1: {  	[tilespmem:s19], [sflag:$0x2] =	stream.indirect_vreg.gather [hbm4b:s3+s2], $0x80, v3, vm0, $0xb8;
	[tilespmem:$0x18400] =	vst v63  }
0xe2: {  	s20 =	simm.s32 $0x13800  }
0xe3: {  	[tilespmem:s20], [sflag:$0x2] =	stream.indirect_vreg.gather [hbm4b:s5+s2], $0x80, v3, vm1, $0xb8;
	[tilespmem:$0x18400] =	vst v63  }
0xe4: {  	v3 =	vld [tilespmem:$0xD0];
	_ =	sdelay $0x4  }
0xe5: {  	v13 =	vshrl.u32 v3, $0x3  }
0xe6: {  	v4 =	vmul.u32 $0x18, v13  }
0xe7: {  	v3 =	vand.u32 $0x7, v3  }
0xe8: {  	v3 =	vor.u32 v3, v4  }
0xe9: {  	v4 =	vperm.xlane v3, v0;
	_ =	sdelay $0x1  }
0xea: {  	v4 =	vadd.s32 v1, v4;
	_ =	sdelay $0x1  }
0xeb: {  	v3 =	vperm.xlane v3, v2;
	_ =	sdelay $0x1  }
0xec: {  	s21 =	simm.s32 $0x13C00;
	v3 =	vadd.s32 v1, v3  }
0xed: {  	[tilespmem:s21], [sflag:$0x2] =	stream.indirect_vreg.gather [hbm4b:s3+s2], $0x80, v4, vm0, $0xb8;
	[tilespmem:$0x18400] =	vst v63  }
0xee: {  	s22 =	simm.s32 $0x14400  }
0xef: {  	[tilespmem:s22], [sflag:$0x2] =	stream.indirect_vreg.gather [hbm4b:s5+s2], $0x80, v4, vm1, $0xb8;
	[tilespmem:$0x18400] =	vst v63  }
0xf0: {  	s23 =	simm.s32 $0x14800  }
0xf1: {  	[tilespmem:s23], [sflag:$0x2] =	stream.indirect_vreg.gather [hbm4b:s3+s2], $0x80, v3, vm0, $0xb8;
	[tilespmem:$0x18400] =	vst v63  }
0xf2: {  	s24 =	simm.s32 $0x15000  }
0xf3: {  	[tilespmem:s24], [sflag:$0x2] =	stream.indirect_vreg.gather [hbm4b:s5+s2], $0x80, v3, vm1, $0xb8;
	[tilespmem:$0x18400] =	vst v63  }
0xf4: {  	v3 =	vld [tilespmem:$0xE0];
	_ =	sdelay $0x4  }
0xf5: {  	v14 =	vshrl.u32 v3, $0x3  }
0xf6: {  	v4 =	vmul.u32 $0x18, v14  }
0xf7: {  	v3 =	vand.u32 $0x7, v3  }
0xf8: {  	v3 =	vor.u32 v3, v4  }
0xf9: {  	v4 =	vperm.xlane v3, v0;
	_ =	sdelay $0x1  }
0xfa: {  	v4 =	vadd.s32 v1, v4;
	_ =	sdelay $0x1  }
0xfb: {  	v3 =	vperm.xlane v3, v2;
	_ =	sdelay $0x1  }
0xfc: {  	s25 =	simm.s32 $0x15400;
	v3 =	vadd.s32 v1, v3  }
0xfd: {  	[tilespmem:s25], [sflag:$0x2] =	stream.indirect_vreg.gather [hbm4b:s3+s2], $0x80, v4, vm0, $0xb8;
	[tilespmem:$0x18400] =	vst v63  }
0xfe: {  	s26 =	simm.s32 $0x15C00  }
0xff: {  	[tilespmem:s26], [sflag:$0x2] =	stream.indirect_vreg.gather [hbm4b:s5+s2], $0x80, v4, vm1, $0xb8;
	[tilespmem:$0x18400] =	vst v63  }
0x100: {  	s28 =	simm.s32 $0x16000  }
0x101: {  	[tilespmem:s28], [sflag:$0x2] =	stream.indirect_vreg.gather [hbm4b:s3+s2], $0x80, v3, vm0, $0xb8;
	[tilespmem:$0x18400] =	vst v63  }
0x102: {  	s29 =	simm.s32 $0x16800  }
0x103: {  	[tilespmem:s29], [sflag:$0x2] =	stream.indirect_vreg.gather [hbm4b:s5+s2], $0x80, v3, vm1, $0xb8;
	[tilespmem:$0x18400] =	vst v63  }
0x104: {  	v3 =	vld [tilespmem:$0xF0];
	_ =	sdelay $0x4  }
0x105: {  	v15 =	vshrl.u32 v3, $0x3  }
0x106: {  	v4 =	vmul.u32 $0x18, v15  }
0x107: {  	v3 =	vand.u32 $0x7, v3  }
0x108: {  	v3 =	vor.u32 v3, v4  }
0x109: {  	v4 =	vperm.xlane v3, v0;
	_ =	sdelay $0x1  }
0x10a: {  	v4 =	vadd.s32 v1, v4;
	_ =	sdelay $0x1  }
0x10b: {  	v3 =	vperm.xlane v3, v2;
	_ =	sdelay $0x1  }
0x10c: {  	s30 =	simm.s32 $0x16C00;
	v3 =	vadd.s32 v1, v3  }
0x10d: {  	[tilespmem:s30], [sflag:$0x2] =	stream.indirect_vreg.gather [hbm4b:s3+s2], $0x80, v4, vm0, $0xb8;
	[tilespmem:$0x18400] =	vst v63  }
0x10e: {  	s31 =	simm.s32 $0x17400  }
0x10f: {  	[tilespmem:s31], [sflag:$0x2] =	stream.indirect_vreg.gather [hbm4b:s5+s2], $0x80, v4, vm1, $0xb8;
	[tilespmem:$0x18400] =	vst v63  }
0x110: {  	s7 =	simm.s32 $0x17800  }
0x111: {  	[tilespmem:s7], [sflag:$0x2] =	stream.indirect_vreg.gather [hbm4b:s3+s2], $0x80, v3, vm0, $0xb8;
	[tilespmem:$0x18400] =	vst v63  }
0x112: {  	s8 =	simm.s32 $0x18000;
	s9 =	simm.s32 $0x1  }
0x113: {  	[tilespmem:s8], [sflag:$0x2] =	stream.indirect_vreg.gather [hbm4b:s5+s2], $0x80, v3, vm1, $0xb8;
	[tilespmem:$0x18400] =	vst v63  }
0x114: {  	_ =	swait.ge [sflag:s9], $0xC000  }
0x115: {  	[sflag:s9] =	ssyncset.done $0x0  }
0x116: {  	[sflag:s9] =	ssyncadd.s32 $0xFFFF4000  }
0x117: {  	v3 =	vld [tilespmem:$0x200];
	_ =	sdelay $0x4  }
0x118: {  	v16 =	vshrl.u32 v3, $0x3  }
0x119: {  	v4 =	vmul.u32 $0x18, v16  }
0x11a: {  	v3 =	vand.u32 $0x7, v3  }
0x11b: {  	v3 =	vor.u32 v3, v4  }
0x11c: {  	v4 =	vperm.xlane v3, v0;
	_ =	sdelay $0x1  }
0x11d: {  	v4 =	vadd.s32 v1, v4;
	_ =	sdelay $0x1  }
0x11e: {  	v3 =	vperm.xlane v3, v2;
	_ =	sdelay $0x1  }
0x11f: {  	s10 =	simm.s32 $0x400;
	v3 =	vadd.s32 v1, v3  }
0x120: {  	[hbm4b:s4+s2] =	stream.indirect_vreg.scatter [tilespmem:s10], [sflag:$0x3], $0x80, v4, vm0, $0xb8;
	[tilespmem:$0x18400] =	vst v63  }
0x121: {  	s7 =	simm.s32 $0xC00  }
0x122: {  	[hbm4b:s6+s2] =	stream.indirect_vreg.scatter [tilespmem:s7], [sflag:$0x3], $0x80, v4, vm1, $0xb8;
	[tilespmem:$0x18400] =	vst v63  }
0x123: {  	s8 =	simm.s32 $0x1000  }
0x124: {  	[hbm4b:s4+s2] =	stream.indirect_vreg.scatter [tilespmem:s8], [sflag:$0x3], $0x80, v3, vm0, $0xb8;
	[tilespmem:$0x18400] =	vst v63  }
0x125: {  	s31 =	simm.s32 $0x1800  }
0x126: {  	[hbm4b:s6+s2] =	stream.indirect_vreg.scatter [tilespmem:s31], [sflag:$0x3], $0x80, v3, vm1, $0xb8;
	[tilespmem:$0x18400] =	vst v63  }
0x127: {  	v3 =	vld [tilespmem:$0x210];
	_ =	sdelay $0x4  }
0x128: {  	v17 =	vshrl.u32 v3, $0x3  }
0x129: {  	v4 =	vmul.u32 $0x18, v17  }
0x12a: {  	v3 =	vand.u32 $0x7, v3  }
0x12b: {  	v3 =	vor.u32 v3, v4  }
0x12c: {  	v4 =	vperm.xlane v3, v0;
	_ =	sdelay $0x1  }
0x12d: {  	v4 =	vadd.s32 v1, v4;
	_ =	sdelay $0x1  }
0x12e: {  	v3 =	vperm.xlane v3, v2;
	_ =	sdelay $0x1  }
0x12f: {  	s9 =	simm.s32 $0x1C00;
	v3 =	vadd.s32 v1, v3  }
0x130: {  	[hbm4b:s4+s2] =	stream.indirect_vreg.scatter [tilespmem:s9], [sflag:$0x3], $0x80, v4, vm0, $0xb8;
	[tilespmem:$0x18400] =	vst v63  }
0x131: {  	s10 =	simm.s32 $0x2400  }
0x132: {  	[hbm4b:s6+s2] =	stream.indirect_vreg.scatter [tilespmem:s10], [sflag:$0x3], $0x80, v4, vm1, $0xb8;
	[tilespmem:$0x18400] =	vst v63  }
0x133: {  	s11 =	simm.s32 $0x2800  }
0x134: {  	[hbm4b:s4+s2] =	stream.indirect_vreg.scatter [tilespmem:s11], [sflag:$0x3], $0x80, v3, vm0, $0xb8;
	[tilespmem:$0x18400] =	vst v63  }
0x135: {  	s12 =	simm.s32 $0x3000  }
0x136: {  	[hbm4b:s6+s2] =	stream.indirect_vreg.scatter [tilespmem:s12], [sflag:$0x3], $0x80, v3, vm1, $0xb8;
	[tilespmem:$0x18400] =	vst v63  }
0x137: {  	v3 =	vld [tilespmem:$0x220];
	_ =	sdelay $0x4  }
0x138: {  	v18 =	vshrl.u32 v3, $0x3  }
0x139: {  	v4 =	vmul.u32 $0x18, v18  }
0x13a: {  	v3 =	vand.u32 $0x7, v3  }
0x13b: {  	v3 =	vor.u32 v3, v4  }
0x13c: {  	v4 =	vperm.xlane v3, v0;
	_ =	sdelay $0x1  }
0x13d: {  	v4 =	vadd.s32 v1, v4;
	_ =	sdelay $0x1  }
0x13e: {  	v3 =	vperm.xlane v3, v2;
	_ =	sdelay $0x1  }
0x13f: {  	s12 =	simm.s32 $0x3400;
	v3 =	vadd.s32 v1, v3  }
0x140: {  	[hbm4b:s4+s2] =	stream.indirect_vreg.scatter [tilespmem:s12], [sflag:$0x3], $0x80, v4, vm0, $0xb8;
	[tilespmem:$0x18400] =	vst v63  }
0x141: {  	s13 =	simm.s32 $0x3C00  }
0x142: {  	[hbm4b:s6+s2] =	stream.indirect_vreg.scatter [tilespmem:s13], [sflag:$0x3], $0x80, v4, vm1, $0xb8;
	[tilespmem:$0x18400] =	vst v63  }
0x143: {  	s14 =	simm.s32 $0x4000  }
0x144: {  	[hbm4b:s4+s2] =	stream.indirect_vreg.scatter [tilespmem:s14], [sflag:$0x3], $0x80, v3, vm0, $0xb8;
	[tilespmem:$0x18400] =	vst v63  }
0x145: {  	s15 =	simm.s32 $0x4800  }
0x146: {  	[hbm4b:s6+s2] =	stream.indirect_vreg.scatter [tilespmem:s15], [sflag:$0x3], $0x80, v3, vm1, $0xb8;
	[tilespmem:$0x18400] =	vst v63  }
0x147: {  	v3 =	vld [tilespmem:$0x230];
	_ =	sdelay $0x4  }
0x148: {  	v19 =	vshrl.u32 v3, $0x3  }
0x149: {  	v4 =	vmul.u32 $0x18, v19  }
0x14a: {  	v3 =	vand.u32 $0x7, v3  }
0x14b: {  	v3 =	vor.u32 v3, v4  }
0x14c: {  	v4 =	vperm.xlane v3, v0;
	_ =	sdelay $0x1  }
0x14d: {  	v4 =	vadd.s32 v1, v4;
	_ =	sdelay $0x1  }
0x14e: {  	v3 =	vperm.xlane v3, v2;
	_ =	sdelay $0x1  }
0x14f: {  	s15 =	simm.s32 $0x4C00;
	v3 =	vadd.s32 v1, v3  }
0x150: {  	[hbm4b:s4+s2] =	stream.indirect_vreg.scatter [tilespmem:s15], [sflag:$0x3], $0x80, v4, vm0, $0xb8;
	[tilespmem:$0x18400] =	vst v63  }
0x151: {  	s16 =	simm.s32 $0x5400  }
0x152: {  	[hbm4b:s6+s2] =	stream.indirect_vreg.scatter [tilespmem:s16], [sflag:$0x3], $0x80, v4, vm1, $0xb8;
	[tilespmem:$0x18400] =	vst v63  }
0x153: {  	s17 =	simm.s32 $0x5800  }
0x154: {  	[hbm4b:s4+s2] =	stream.indirect_vreg.scatter [tilespmem:s17], [sflag:$0x3], $0x80, v3, vm0, $0xb8;
	[tilespmem:$0x18400] =	vst v63  }
0x155: {  	s18 =	simm.s32 $0x6000  }
0x156: {  	[hbm4b:s6+s2] =	stream.indirect_vreg.scatter [tilespmem:s18], [sflag:$0x3], $0x80, v3, vm1, $0xb8;
	[tilespmem:$0x18400] =	vst v63  }
0x157: {  	v3 =	vld [tilespmem:$0x240];
	_ =	sdelay $0x4  }
0x158: {  	v20 =	vshrl.u32 v3, $0x3  }
0x159: {  	v4 =	vmul.u32 $0x18, v20  }
0x15a: {  	v3 =	vand.u32 $0x7, v3  }
0x15b: {  	v3 =	vor.u32 v3, v4  }
0x15c: {  	v4 =	vperm.xlane v3, v0;
	_ =	sdelay $0x1  }
0x15d: {  	v4 =	vadd.s32 v1, v4;
	_ =	sdelay $0x1  }
0x15e: {  	v3 =	vperm.xlane v3, v2;
	_ =	sdelay $0x1  }
0x15f: {  	s18 =	simm.s32 $0x6400;
	v3 =	vadd.s32 v1, v3  }
0x160: {  	[hbm4b:s4+s2] =	stream.indirect_vreg.scatter [tilespmem:s18], [sflag:$0x3], $0x80, v4, vm0, $0xb8;
	[tilespmem:$0x18400] =	vst v63  }
0x161: {  	s19 =	simm.s32 $0x6C00  }
0x162: {  	[hbm4b:s6+s2] =	stream.indirect_vreg.scatter [tilespmem:s19], [sflag:$0x3], $0x80, v4, vm1, $0xb8;
	[tilespmem:$0x18400] =	vst v63  }
0x163: {  	s20 =	simm.s32 $0x7000  }
0x164: {  	[hbm4b:s4+s2] =	stream.indirect_vreg.scatter [tilespmem:s20], [sflag:$0x3], $0x80, v3, vm0, $0xb8;
	[tilespmem:$0x18400] =	vst v63  }
0x165: {  	s21 =	simm.s32 $0x7800  }
0x166: {  	[hbm4b:s6+s2] =	stream.indirect_vreg.scatter [tilespmem:s21], [sflag:$0x3], $0x80, v3, vm1, $0xb8;
	[tilespmem:$0x18400] =	vst v63  }
0x167: {  	v3 =	vld [tilespmem:$0x250];
	_ =	sdelay $0x4  }
0x168: {  	v21 =	vshrl.u32 v3, $0x3  }
0x169: {  	v4 =	vmul.u32 $0x18, v21  }
0x16a: {  	v3 =	vand.u32 $0x7, v3  }
0x16b: {  	v3 =	vor.u32 v3, v4  }
0x16c: {  	v4 =	vperm.xlane v3, v0;
	_ =	sdelay $0x1  }
0x16d: {  	v4 =	vadd.s32 v1, v4;
	_ =	sdelay $0x1  }
0x16e: {  	v3 =	vperm.xlane v3, v2;
	_ =	sdelay $0x1  }
0x16f: {  	s21 =	simm.s32 $0x7C00;
	v3 =	vadd.s32 v1, v3  }
0x170: {  	[hbm4b:s4+s2] =	stream.indirect_vreg.scatter [tilespmem:s21], [sflag:$0x3], $0x80, v4, vm0, $0xb8;
	[tilespmem:$0x18400] =	vst v63  }
0x171: {  	s22 =	simm.s32 $0x8400  }
0x172: {  	[hbm4b:s6+s2] =	stream.indirect_vreg.scatter [tilespmem:s22], [sflag:$0x3], $0x80, v4, vm1, $0xb8;
	[tilespmem:$0x18400] =	vst v63  }
0x173: {  	s23 =	simm.s32 $0x8800  }
0x174: {  	[hbm4b:s4+s2] =	stream.indirect_vreg.scatter [tilespmem:s23], [sflag:$0x3], $0x80, v3, vm0, $0xb8;
	[tilespmem:$0x18400] =	vst v63  }
0x175: {  	s24 =	simm.s32 $0x9000  }
0x176: {  	[hbm4b:s6+s2] =	stream.indirect_vreg.scatter [tilespmem:s24], [sflag:$0x3], $0x80, v3, vm1, $0xb8;
	[tilespmem:$0x18400] =	vst v63  }
0x177: {  	v3 =	vld [tilespmem:$0x260];
	_ =	sdelay $0x4  }
0x178: {  	v22 =	vshrl.u32 v3, $0x3  }
0x179: {  	v4 =	vmul.u32 $0x18, v22  }
0x17a: {  	v3 =	vand.u32 $0x7, v3  }
0x17b: {  	v3 =	vor.u32 v3, v4  }
0x17c: {  	v4 =	vperm.xlane v3, v0;
	_ =	sdelay $0x1  }
0x17d: {  	v4 =	vadd.s32 v1, v4;
	_ =	sdelay $0x1  }
0x17e: {  	v3 =	vperm.xlane v3, v2;
	_ =	sdelay $0x1  }
0x17f: {  	s24 =	simm.s32 $0x9400;
	v3 =	vadd.s32 v1, v3  }
0x180: {  	[hbm4b:s4+s2] =	stream.indirect_vreg.scatter [tilespmem:s24], [sflag:$0x3], $0x80, v4, vm0, $0xb8;
	[tilespmem:$0x18400] =	vst v63  }
0x181: {  	s25 =	simm.s32 $0x9C00  }
0x182: {  	[hbm4b:s6+s2] =	stream.indirect_vreg.scatter [tilespmem:s25], [sflag:$0x3], $0x80, v4, vm1, $0xb8;
	[tilespmem:$0x18400] =	vst v63  }
0x183: {  	s26 =	simm.s32 $0xA000  }
0x184: {  	[hbm4b:s4+s2] =	stream.indirect_vreg.scatter [tilespmem:s26], [sflag:$0x3], $0x80, v3, vm0, $0xb8;
	[tilespmem:$0x18400] =	vst v63  }
0x185: {  	s28 =	simm.s32 $0xA800  }
0x186: {  	[hbm4b:s6+s2] =	stream.indirect_vreg.scatter [tilespmem:s28], [sflag:$0x3], $0x80, v3, vm1, $0xb8;
	[tilespmem:$0x18400] =	vst v63  }
0x187: {  	v3 =	vld [tilespmem:$0x270];
	_ =	sdelay $0x4  }
0x188: {  	v23 =	vshrl.u32 v3, $0x3  }
0x189: {  	v4 =	vmul.u32 $0x18, v23  }
0x18a: {  	v3 =	vand.u32 $0x7, v3  }
0x18b: {  	v3 =	vor.u32 v3, v4  }
0x18c: {  	v4 =	vperm.xlane v3, v0;
	_ =	sdelay $0x1  }
0x18d: {  	v4 =	vadd.s32 v1, v4;
	_ =	sdelay $0x1  }
0x18e: {  	v3 =	vperm.xlane v3, v2;
	_ =	sdelay $0x1  }
0x18f: {  	s28 =	simm.s32 $0xAC00;
	v3 =	vadd.s32 v1, v3  }
0x190: {  	[hbm4b:s4+s2] =	stream.indirect_vreg.scatter [tilespmem:s28], [sflag:$0x3], $0x80, v4, vm0, $0xb8;
	[tilespmem:$0x18400] =	vst v63  }
0x191: {  	s29 =	simm.s32 $0xB400  }
0x192: {  	[hbm4b:s6+s2] =	stream.indirect_vreg.scatter [tilespmem:s29], [sflag:$0x3], $0x80, v4, vm1, $0xb8;
	[tilespmem:$0x18400] =	vst v63  }
0x193: {  	s30 =	simm.s32 $0xB800  }
0x194: {  	[hbm4b:s4+s2] =	stream.indirect_vreg.scatter [tilespmem:s30], [sflag:$0x3], $0x80, v3, vm0, $0xb8;
	[tilespmem:$0x18400] =	vst v63  }
0x195: {  	s0 =	simm.s32 $0xC000  }
0x196: {  	[hbm4b:s6+s2] =	stream.indirect_vreg.scatter [tilespmem:s0], [sflag:$0x3], $0x80, v3, vm1, $0xb8;
	[tilespmem:$0x18400] =	vst v63  }
0x197: {  	s0 =	simm.s32 $0x3  }
0x198: {  	_ =	swait.ge [sflag:s0], $0xC000  }
0x199: {  	[sflag:s0] =	ssyncset.done $0x0  }
0x19a: {  	[sflag:s0] =	ssyncadd.s32 $0xFFFF4000  }
0x19b: {  	v3 =	vld [tilespmem:$0x100];
	_ =	sdelay $0x4  }
0x19c: {  	v24 =	vshrl.u32 v3, $0x3  }
0x19d: {  	v4 =	vmul.u32 $0x18, v24  }
0x19e: {  	v3 =	vand.u32 $0x7, v3  }
0x19f: {  	v3 =	vor.u32 v3, v4  }
0x1a0: {  	v4 =	vperm.xlane v3, v0;
	_ =	sdelay $0x1  }
0x1a1: {  	v4 =	vadd.s32 v1, v4;
	_ =	sdelay $0x1  }
0x1a2: {  	v3 =	vperm.xlane v3, v2;
	_ =	sdelay $0x1  }
0x1a3: {  	s0 =	simm.s32 $0x400;
	v3 =	vadd.s32 v1, v3  }
0x1a4: {  	[tilespmem:s0], [sflag:$0x1] =	stream.indirect_vreg.gather [hbm4b:s3+s2], $0x80, v4, vm0, $0xb8;
	[tilespmem:$0x18400] =	vst v63  }
0x1a5: {  	_ = 	snop  }
0x1a6: {  	[tilespmem:s7], [sflag:$0x1] =	stream.indirect_vreg.gather [hbm4b:s5+s2], $0x80, v4, vm1, $0xb8;
	[tilespmem:$0x18400] =	vst v63  }
0x1a7: {  	_ = 	snop  }
0x1a8: {  	[tilespmem:s8], [sflag:$0x1] =	stream.indirect_vreg.gather [hbm4b:s3+s2], $0x80, v3, vm0, $0xb8;
	[tilespmem:$0x18400] =	vst v63  }
0x1a9: {  	_ = 	snop  }
0x1aa: {  	[tilespmem:s31], [sflag:$0x1] =	stream.indirect_vreg.gather [hbm4b:s5+s2], $0x80, v3, vm1, $0xb8;
	[tilespmem:$0x18400] =	vst v63  }
0x1ab: {  	v3 =	vld [tilespmem:$0x110];
	_ =	sdelay $0x4  }
0x1ac: {  	v25 =	vshrl.u32 v3, $0x3  }
0x1ad: {  	v4 =	vmul.u32 $0x18, v25  }
0x1ae: {  	v3 =	vand.u32 $0x7, v3  }
0x1af: {  	v3 =	vor.u32 v3, v4  }
0x1b0: {  	v4 =	vperm.xlane v3, v0;
	_ =	sdelay $0x1  }
0x1b1: {  	v4 =	vadd.s32 v1, v4;
	_ =	sdelay $0x1  }
0x1b2: {  	v3 =	vperm.xlane v3, v2;
	_ =	sdelay $0x1  }
0x1b3: {  	v3 =	vadd.s32 v1, v3  }
0x1b4: {  	[tilespmem:s9], [sflag:$0x1] =	stream.indirect_vreg.gather [hbm4b:s3+s2], $0x80, v4, vm0, $0xb8;
	[tilespmem:$0x18400] =	vst v63  }
0x1b5: {  	_ = 	snop  }
0x1b6: {  	[tilespmem:s10], [sflag:$0x1] =	stream.indirect_vreg.gather [hbm4b:s5+s2], $0x80, v4, vm1, $0xb8;
	[tilespmem:$0x18400] =	vst v63  }
0x1b7: {  	_ = 	snop  }
0x1b8: {  	[tilespmem:s11], [sflag:$0x1] =	stream.indirect_vreg.gather [hbm4b:s3+s2], $0x80, v3, vm0, $0xb8;
	[tilespmem:$0x18400] =	vst v63  }
0x1b9: {  	s11 =	simm.s32 $0x3000  }
0x1ba: {  	[tilespmem:s11], [sflag:$0x1] =	stream.indirect_vreg.gather [hbm4b:s5+s2], $0x80, v3, vm1, $0xb8;
	[tilespmem:$0x18400] =	vst v63  }
0x1bb: {  	v3 =	vld [tilespmem:$0x120];
	_ =	sdelay $0x4  }
0x1bc: {  	v26 =	vshrl.u32 v3, $0x3  }
0x1bd: {  	v4 =	vmul.u32 $0x18, v26  }
0x1be: {  	v3 =	vand.u32 $0x7, v3  }
0x1bf: {  	v3 =	vor.u32 v3, v4  }
0x1c0: {  	v4 =	vperm.xlane v3, v0;
	_ =	sdelay $0x1  }
0x1c1: {  	v4 =	vadd.s32 v1, v4;
	_ =	sdelay $0x1  }
0x1c2: {  	v3 =	vperm.xlane v3, v2;
	_ =	sdelay $0x1  }
0x1c3: {  	v3 =	vadd.s32 v1, v3  }
0x1c4: {  	[tilespmem:s12], [sflag:$0x1] =	stream.indirect_vreg.gather [hbm4b:s3+s2], $0x80, v4, vm0, $0xb8;
	[tilespmem:$0x18400] =	vst v63  }
0x1c5: {  	_ = 	snop  }
0x1c6: {  	[tilespmem:s13], [sflag:$0x1] =	stream.indirect_vreg.gather [hbm4b:s5+s2], $0x80, v4, vm1, $0xb8;
	[tilespmem:$0x18400] =	vst v63  }
0x1c7: {  	_ = 	snop  }
0x1c8: {  	[tilespmem:s14], [sflag:$0x1] =	stream.indirect_vreg.gather [hbm4b:s3+s2], $0x80, v3, vm0, $0xb8;
	[tilespmem:$0x18400] =	vst v63  }
0x1c9: {  	s14 =	simm.s32 $0x4800  }
0x1ca: {  	[tilespmem:s14], [sflag:$0x1] =	stream.indirect_vreg.gather [hbm4b:s5+s2], $0x80, v3, vm1, $0xb8;
	[tilespmem:$0x18400] =	vst v63  }
0x1cb: {  	v3 =	vld [tilespmem:$0x130];
	_ =	sdelay $0x4  }
0x1cc: {  	v27 =	vshrl.u32 v3, $0x3  }
0x1cd: {  	v4 =	vmul.u32 $0x18, v27  }
0x1ce: {  	v3 =	vand.u32 $0x7, v3  }
0x1cf: {  	v3 =	vor.u32 v3, v4  }
0x1d0: {  	v4 =	vperm.xlane v3, v0;
	_ =	sdelay $0x1  }
0x1d1: {  	v4 =	vadd.s32 v1, v4;
	_ =	sdelay $0x1  }
0x1d2: {  	v3 =	vperm.xlane v3, v2;
	_ =	sdelay $0x1  }
0x1d3: {  	v3 =	vadd.s32 v1, v3  }
0x1d4: {  	[tilespmem:s15], [sflag:$0x1] =	stream.indirect_vreg.gather [hbm4b:s3+s2], $0x80, v4, vm0, $0xb8;
	[tilespmem:$0x18400] =	vst v63  }
0x1d5: {  	_ = 	snop  }
0x1d6: {  	[tilespmem:s16], [sflag:$0x1] =	stream.indirect_vreg.gather [hbm4b:s5+s2], $0x80, v4, vm1, $0xb8;
	[tilespmem:$0x18400] =	vst v63  }
0x1d7: {  	_ = 	snop  }
0x1d8: {  	[tilespmem:s17], [sflag:$0x1] =	stream.indirect_vreg.gather [hbm4b:s3+s2], $0x80, v3, vm0, $0xb8;
	[tilespmem:$0x18400] =	vst v63  }
0x1d9: {  	s17 =	simm.s32 $0x6000  }
0x1da: {  	[tilespmem:s17], [sflag:$0x1] =	stream.indirect_vreg.gather [hbm4b:s5+s2], $0x80, v3, vm1, $0xb8;
	[tilespmem:$0x18400] =	vst v63  }
0x1db: {  	v3 =	vld [tilespmem:$0x140];
	_ =	sdelay $0x4  }
0x1dc: {  	v28 =	vshrl.u32 v3, $0x3  }
0x1dd: {  	v4 =	vmul.u32 $0x18, v28  }
0x1de: {  	v3 =	vand.u32 $0x7, v3  }
0x1df: {  	v3 =	vor.u32 v3, v4  }
0x1e0: {  	v4 =	vperm.xlane v3, v0;
	_ =	sdelay $0x1  }
0x1e1: {  	v4 =	vadd.s32 v1, v4;
	_ =	sdelay $0x1  }
0x1e2: {  	v3 =	vperm.xlane v3, v2;
	_ =	sdelay $0x1  }
0x1e3: {  	v3 =	vadd.s32 v1, v3  }
0x1e4: {  	[tilespmem:s18], [sflag:$0x1] =	stream.indirect_vreg.gather [hbm4b:s3+s2], $0x80, v4, vm0, $0xb8;
	[tilespmem:$0x18400] =	vst v63  }
0x1e5: {  	_ = 	snop  }
0x1e6: {  	[tilespmem:s19], [sflag:$0x1] =	stream.indirect_vreg.gather [hbm4b:s5+s2], $0x80, v4, vm1, $0xb8;
	[tilespmem:$0x18400] =	vst v63  }
0x1e7: {  	_ = 	snop  }
0x1e8: {  	[tilespmem:s20], [sflag:$0x1] =	stream.indirect_vreg.gather [hbm4b:s3+s2], $0x80, v3, vm0, $0xb8;
	[tilespmem:$0x18400] =	vst v63  }
0x1e9: {  	s20 =	simm.s32 $0x7800  }
0x1ea: {  	[tilespmem:s20], [sflag:$0x1] =	stream.indirect_vreg.gather [hbm4b:s5+s2], $0x80, v3, vm1, $0xb8;
	[tilespmem:$0x18400] =	vst v63  }
0x1eb: {  	v3 =	vld [tilespmem:$0x150];
	_ =	sdelay $0x4  }
0x1ec: {  	v29 =	vshrl.u32 v3, $0x3  }
0x1ed: {  	v4 =	vmul.u32 $0x18, v29  }
0x1ee: {  	v3 =	vand.u32 $0x7, v3  }
0x1ef: {  	v3 =	vor.u32 v3, v4  }
0x1f0: {  	v4 =	vperm.xlane v3, v0;
	_ =	sdelay $0x1  }
0x1f1: {  	v4 =	vadd.s32 v1, v4;
	_ =	sdelay $0x1  }
0x1f2: {  	v3 =	vperm.xlane v3, v2;
	_ =	sdelay $0x1  }
0x1f3: {  	v3 =	vadd.s32 v1, v3  }
0x1f4: {  	[tilespmem:s21], [sflag:$0x1] =	stream.indirect_vreg.gather [hbm4b:s3+s2], $0x80, v4, vm0, $0xb8;
	[tilespmem:$0x18400] =	vst v63  }
0x1f5: {  	_ = 	snop  }
0x1f6: {  	[tilespmem:s22], [sflag:$0x1] =	stream.indirect_vreg.gather [hbm4b:s5+s2], $0x80, v4, vm1, $0xb8;
	[tilespmem:$0x18400] =	vst v63  }
0x1f7: {  	_ = 	snop  }
0x1f8: {  	[tilespmem:s23], [sflag:$0x1] =	stream.indirect_vreg.gather [hbm4b:s3+s2], $0x80, v3, vm0, $0xb8;
	[tilespmem:$0x18400] =	vst v63  }
0x1f9: {  	s21 =	simm.s32 $0x9000  }
0x1fa: {  	[tilespmem:s21], [sflag:$0x1] =	stream.indirect_vreg.gather [hbm4b:s5+s2], $0x80, v3, vm1, $0xb8;
	[tilespmem:$0x18400] =	vst v63  }
0x1fb: {  	v3 =	vld [tilespmem:$0x160];
	_ =	sdelay $0x4  }
0x1fc: {  	v30 =	vshrl.u32 v3, $0x3  }
0x1fd: {  	v4 =	vmul.u32 $0x18, v30  }
0x1fe: {  	v3 =	vand.u32 $0x7, v3  }
0x1ff: {  	v3 =	vor.u32 v3, v4  }
0x200: {  	v4 =	vperm.xlane v3, v0;
	_ =	sdelay $0x1  }
0x201: {  	v4 =	vadd.s32 v1, v4;
	_ =	sdelay $0x1  }
0x202: {  	v3 =	vperm.xlane v3, v2;
	_ =	sdelay $0x1  }
0x203: {  	v3 =	vadd.s32 v1, v3  }
0x204: {  	[tilespmem:s24], [sflag:$0x1] =	stream.indirect_vreg.gather [hbm4b:s3+s2], $0x80, v4, vm0, $0xb8;
	[tilespmem:$0x18400] =	vst v63  }
0x205: {  	_ = 	snop  }
0x206: {  	[tilespmem:s25], [sflag:$0x1] =	stream.indirect_vreg.gather [hbm4b:s5+s2], $0x80, v4, vm1, $0xb8;
	[tilespmem:$0x18400] =	vst v63  }
0x207: {  	_ = 	snop  }
0x208: {  	[tilespmem:s26], [sflag:$0x1] =	stream.indirect_vreg.gather [hbm4b:s3+s2], $0x80, v3, vm0, $0xb8;
	[tilespmem:$0x18400] =	vst v63  }
0x209: {  	s22 =	simm.s32 $0xA800  }
0x20a: {  	[tilespmem:s22], [sflag:$0x1] =	stream.indirect_vreg.gather [hbm4b:s5+s2], $0x80, v3, vm1, $0xb8;
	[tilespmem:$0x18400] =	vst v63  }
0x20b: {  	v3 =	vld [tilespmem:$0x170];
	_ =	sdelay $0x4  }
0x20c: {  	v31 =	vshrl.u32 v3, $0x3  }
0x20d: {  	v4 =	vmul.u32 $0x18, v31  }
0x20e: {  	v3 =	vand.u32 $0x7, v3  }
0x20f: {  	v3 =	vor.u32 v3, v4  }
0x210: {  	v4 =	vperm.xlane v3, v0;
	_ =	sdelay $0x1  }
0x211: {  	v4 =	vadd.s32 v1, v4;
	_ =	sdelay $0x1  }
0x212: {  	v3 =	vperm.xlane v3, v2;
	_ =	sdelay $0x1  }
0x213: {  	v3 =	vadd.s32 v1, v3  }
0x214: {  	[tilespmem:s28], [sflag:$0x1] =	stream.indirect_vreg.gather [hbm4b:s3+s2], $0x80, v4, vm0, $0xb8;
	[tilespmem:$0x18400] =	vst v63  }
0x215: {  	_ = 	snop  }
0x216: {  	[tilespmem:s29], [sflag:$0x1] =	stream.indirect_vreg.gather [hbm4b:s5+s2], $0x80, v4, vm1, $0xb8;
	[tilespmem:$0x18400] =	vst v63  }
0x217: {  	_ = 	snop  }
0x218: {  	[tilespmem:s30], [sflag:$0x1] =	stream.indirect_vreg.gather [hbm4b:s3+s2], $0x80, v3, vm0, $0xb8;
	[tilespmem:$0x18400] =	vst v63  }
0x219: {  	s23 =	simm.s32 $0xC000;
	s24 =	simm.s32 $0x2  }
0x21a: {  	[tilespmem:s23], [sflag:$0x1] =	stream.indirect_vreg.gather [hbm4b:s5+s2], $0x80, v3, vm1, $0xb8;
	[tilespmem:$0x18400] =	vst v63  }
0x21b: {  	_ =	swait.ge [sflag:s24], $0xC000  }
0x21c: {  	[sflag:s24] =	ssyncset.done $0x0  }
0x21d: {  	[sflag:s24] =	ssyncadd.s32 $0xFFFF4000  }
0x21e: {  	v3 =	vld [tilespmem:$0x280];
	_ =	sdelay $0x4  }
0x21f: {  	v32 =	vshrl.u32 v3, $0x3  }
0x220: {  	v4 =	vmul.u32 $0x18, v32  }
0x221: {  	v3 =	vand.u32 $0x7, v3  }
0x222: {  	v3 =	vor.u32 v3, v4  }
0x223: {  	v4 =	vperm.xlane v3, v0;
	_ =	sdelay $0x1  }
0x224: {  	v4 =	vadd.s32 v1, v4;
	_ =	sdelay $0x1  }
0x225: {  	v3 =	vperm.xlane v3, v2;
	_ =	sdelay $0x1  }
0x226: {  	s10 =	simm.s32 $0xC400;
	v3 =	vadd.s32 v1, v3  }
0x227: {  	[hbm4b:s4+s2] =	stream.indirect_vreg.scatter [tilespmem:s10], [sflag:$0x4], $0x80, v4, vm0, $0xb8;
	[tilespmem:$0x18400] =	vst v63  }
0x228: {  	s11 =	simm.s32 $0xCC00  }
0x229: {  	[hbm4b:s6+s2] =	stream.indirect_vreg.scatter [tilespmem:s11], [sflag:$0x4], $0x80, v4, vm1, $0xb8;
	[tilespmem:$0x18400] =	vst v63  }
0x22a: {  	s12 =	simm.s32 $0xD000  }
0x22b: {  	[hbm4b:s4+s2] =	stream.indirect_vreg.scatter [tilespmem:s12], [sflag:$0x4], $0x80, v3, vm0, $0xb8;
	[tilespmem:$0x18400] =	vst v63  }
0x22c: {  	s25 =	simm.s32 $0xD800  }
0x22d: {  	[hbm4b:s6+s2] =	stream.indirect_vreg.scatter [tilespmem:s25], [sflag:$0x4], $0x80, v3, vm1, $0xb8;
	[tilespmem:$0x18400] =	vst v63  }
0x22e: {  	v3 =	vld [tilespmem:$0x290];
	_ =	sdelay $0x4  }
0x22f: {  	v33 =	vshrl.u32 v3, $0x3  }
0x230: {  	v4 =	vmul.u32 $0x18, v33  }
0x231: {  	v3 =	vand.u32 $0x7, v3  }
0x232: {  	v3 =	vor.u32 v3, v4  }
0x233: {  	v4 =	vperm.xlane v3, v0;
	_ =	sdelay $0x1  }
0x234: {  	v4 =	vadd.s32 v1, v4;
	_ =	sdelay $0x1  }
0x235: {  	v3 =	vperm.xlane v3, v2;
	_ =	sdelay $0x1  }
0x236: {  	s13 =	simm.s32 $0xDC00;
	v3 =	vadd.s32 v1, v3  }
0x237: {  	[hbm4b:s4+s2] =	stream.indirect_vreg.scatter [tilespmem:s13], [sflag:$0x4], $0x80, v4, vm0, $0xb8;
	[tilespmem:$0x18400] =	vst v63  }
0x238: {  	s14 =	simm.s32 $0xE400  }
0x239: {  	[hbm4b:s6+s2] =	stream.indirect_vreg.scatter [tilespmem:s14], [sflag:$0x4], $0x80, v4, vm1, $0xb8;
	[tilespmem:$0x18400] =	vst v63  }
0x23a: {  	s15 =	simm.s32 $0xE800  }
0x23b: {  	[hbm4b:s4+s2] =	stream.indirect_vreg.scatter [tilespmem:s15], [sflag:$0x4], $0x80, v3, vm0, $0xb8;
	[tilespmem:$0x18400] =	vst v63  }
0x23c: {  	s26 =	simm.s32 $0xF000  }
0x23d: {  	[hbm4b:s6+s2] =	stream.indirect_vreg.scatter [tilespmem:s26], [sflag:$0x4], $0x80, v3, vm1, $0xb8;
	[tilespmem:$0x18400] =	vst v63  }
0x23e: {  	v3 =	vld [tilespmem:$0x2A0];
	_ =	sdelay $0x4  }
0x23f: {  	v34 =	vshrl.u32 v3, $0x3  }
0x240: {  	v4 =	vmul.u32 $0x18, v34  }
0x241: {  	v3 =	vand.u32 $0x7, v3  }
0x242: {  	v3 =	vor.u32 v3, v4  }
0x243: {  	v4 =	vperm.xlane v3, v0;
	_ =	sdelay $0x1  }
0x244: {  	v4 =	vadd.s32 v1, v4;
	_ =	sdelay $0x1  }
0x245: {  	v3 =	vperm.xlane v3, v2;
	_ =	sdelay $0x1  }
0x246: {  	s16 =	simm.s32 $0xF400;
	v3 =	vadd.s32 v1, v3  }
0x247: {  	[hbm4b:s4+s2] =	stream.indirect_vreg.scatter [tilespmem:s16], [sflag:$0x4], $0x80, v4, vm0, $0xb8;
	[tilespmem:$0x18400] =	vst v63  }
0x248: {  	s17 =	simm.s32 $0xFC00  }
0x249: {  	[hbm4b:s6+s2] =	stream.indirect_vreg.scatter [tilespmem:s17], [sflag:$0x4], $0x80, v4, vm1, $0xb8;
	[tilespmem:$0x18400] =	vst v63  }
0x24a: {  	s18 =	simm.s32 $0x10000  }
0x24b: {  	[hbm4b:s4+s2] =	stream.indirect_vreg.scatter [tilespmem:s18], [sflag:$0x4], $0x80, v3, vm0, $0xb8;
	[tilespmem:$0x18400] =	vst v63  }
0x24c: {  	s28 =	simm.s32 $0x10800  }
0x24d: {  	[hbm4b:s6+s2] =	stream.indirect_vreg.scatter [tilespmem:s28], [sflag:$0x4], $0x80, v3, vm1, $0xb8;
	[tilespmem:$0x18400] =	vst v63  }
0x24e: {  	v3 =	vld [tilespmem:$0x2B0];
	_ =	sdelay $0x4  }
0x24f: {  	v35 =	vshrl.u32 v3, $0x3  }
0x250: {  	v4 =	vmul.u32 $0x18, v35  }
0x251: {  	v3 =	vand.u32 $0x7, v3  }
0x252: {  	v3 =	vor.u32 v3, v4  }
0x253: {  	v4 =	vperm.xlane v3, v0;
	_ =	sdelay $0x1  }
0x254: {  	v4 =	vadd.s32 v1, v4;
	_ =	sdelay $0x1  }
0x255: {  	v3 =	vperm.xlane v3, v2;
	_ =	sdelay $0x1  }
0x256: {  	s19 =	simm.s32 $0x10C00;
	v3 =	vadd.s32 v1, v3  }
0x257: {  	[hbm4b:s4+s2] =	stream.indirect_vreg.scatter [tilespmem:s19], [sflag:$0x4], $0x80, v4, vm0, $0xb8;
	[tilespmem:$0x18400] =	vst v63  }
0x258: {  	s20 =	simm.s32 $0x11400  }
0x259: {  	[hbm4b:s6+s2] =	stream.indirect_vreg.scatter [tilespmem:s20], [sflag:$0x4], $0x80, v4, vm1, $0xb8;
	[tilespmem:$0x18400] =	vst v63  }
0x25a: {  	s21 =	simm.s32 $0x11800  }
0x25b: {  	[hbm4b:s4+s2] =	stream.indirect_vreg.scatter [tilespmem:s21], [sflag:$0x4], $0x80, v3, vm0, $0xb8;
	[tilespmem:$0x18400] =	vst v63  }
0x25c: {  	s29 =	simm.s32 $0x12000  }
0x25d: {  	[hbm4b:s6+s2] =	stream.indirect_vreg.scatter [tilespmem:s29], [sflag:$0x4], $0x80, v3, vm1, $0xb8;
	[tilespmem:$0x18400] =	vst v63  }
0x25e: {  	v3 =	vld [tilespmem:$0x2C0];
	_ =	sdelay $0x4  }
0x25f: {  	v36 =	vshrl.u32 v3, $0x3  }
0x260: {  	v4 =	vmul.u32 $0x18, v36  }
0x261: {  	v3 =	vand.u32 $0x7, v3  }
0x262: {  	v3 =	vor.u32 v3, v4  }
0x263: {  	v4 =	vperm.xlane v3, v0;
	_ =	sdelay $0x1  }
0x264: {  	v4 =	vadd.s32 v1, v4;
	_ =	sdelay $0x1  }
0x265: {  	v3 =	vperm.xlane v3, v2;
	_ =	sdelay $0x1  }
0x266: {  	s22 =	simm.s32 $0x12400;
	v3 =	vadd.s32 v1, v3  }
0x267: {  	[hbm4b:s4+s2] =	stream.indirect_vreg.scatter [tilespmem:s22], [sflag:$0x4], $0x80, v4, vm0, $0xb8;
	[tilespmem:$0x18400] =	vst v63  }
0x268: {  	s23 =	simm.s32 $0x12C00  }
0x269: {  	[hbm4b:s6+s2] =	stream.indirect_vreg.scatter [tilespmem:s23], [sflag:$0x4], $0x80, v4, vm1, $0xb8;
	[tilespmem:$0x18400] =	vst v63  }
0x26a: {  	s24 =	simm.s32 $0x13000  }
0x26b: {  	[hbm4b:s4+s2] =	stream.indirect_vreg.scatter [tilespmem:s24], [sflag:$0x4], $0x80, v3, vm0, $0xb8;
	[tilespmem:$0x18400] =	vst v63  }
0x26c: {  	s30 =	simm.s32 $0x13800  }
0x26d: {  	[hbm4b:s6+s2] =	stream.indirect_vreg.scatter [tilespmem:s30], [sflag:$0x4], $0x80, v3, vm1, $0xb8;
	[tilespmem:$0x18400] =	vst v63  }
0x26e: {  	v3 =	vld [tilespmem:$0x2D0];
	_ =	sdelay $0x4  }
0x26f: {  	v37 =	vshrl.u32 v3, $0x3  }
0x270: {  	v4 =	vmul.u32 $0x18, v37  }
0x271: {  	v3 =	vand.u32 $0x7, v3  }
0x272: {  	v3 =	vor.u32 v3, v4  }
0x273: {  	v4 =	vperm.xlane v3, v0;
	_ =	sdelay $0x1  }
0x274: {  	v4 =	vadd.s32 v1, v4;
	_ =	sdelay $0x1  }
0x275: {  	v3 =	vperm.xlane v3, v2;
	_ =	sdelay $0x1  }
0x276: {  	s25 =	simm.s32 $0x13C00;
	v3 =	vadd.s32 v1, v3  }
0x277: {  	[hbm4b:s4+s2] =	stream.indirect_vreg.scatter [tilespmem:s25], [sflag:$0x4], $0x80, v4, vm0, $0xb8;
	[tilespmem:$0x18400] =	vst v63  }
0x278: {  	s26 =	simm.s32 $0x14400  }
0x279: {  	[hbm4b:s6+s2] =	stream.indirect_vreg.scatter [tilespmem:s26], [sflag:$0x4], $0x80, v4, vm1, $0xb8;
	[tilespmem:$0x18400] =	vst v63  }
0x27a: {  	s28 =	simm.s32 $0x14800  }
0x27b: {  	[hbm4b:s4+s2] =	stream.indirect_vreg.scatter [tilespmem:s28], [sflag:$0x4], $0x80, v3, vm0, $0xb8;
	[tilespmem:$0x18400] =	vst v63  }
0x27c: {  	s31 =	simm.s32 $0x15000  }
0x27d: {  	[hbm4b:s6+s2] =	stream.indirect_vreg.scatter [tilespmem:s31], [sflag:$0x4], $0x80, v3, vm1, $0xb8;
	[tilespmem:$0x18400] =	vst v63  }
0x27e: {  	v3 =	vld [tilespmem:$0x2E0];
	_ =	sdelay $0x4  }
0x27f: {  	v38 =	vshrl.u32 v3, $0x3  }
0x280: {  	v4 =	vmul.u32 $0x18, v38  }
0x281: {  	v3 =	vand.u32 $0x7, v3  }
0x282: {  	v3 =	vor.u32 v3, v4  }
0x283: {  	v4 =	vperm.xlane v3, v0;
	_ =	sdelay $0x1  }
0x284: {  	v4 =	vadd.s32 v1, v4;
	_ =	sdelay $0x1  }
0x285: {  	v3 =	vperm.xlane v3, v2;
	_ =	sdelay $0x1  }
0x286: {  	s29 =	simm.s32 $0x15400;
	v3 =	vadd.s32 v1, v3  }
0x287: {  	[hbm4b:s4+s2] =	stream.indirect_vreg.scatter [tilespmem:s29], [sflag:$0x4], $0x80, v4, vm0, $0xb8;
	[tilespmem:$0x18400] =	vst v63  }
0x288: {  	s30 =	simm.s32 $0x15C00  }
0x289: {  	[hbm4b:s6+s2] =	stream.indirect_vreg.scatter [tilespmem:s30], [sflag:$0x4], $0x80, v4, vm1, $0xb8;
	[tilespmem:$0x18400] =	vst v63  }
0x28a: {  	s31 =	simm.s32 $0x16000  }
0x28b: {  	[hbm4b:s4+s2] =	stream.indirect_vreg.scatter [tilespmem:s31], [sflag:$0x4], $0x80, v3, vm0, $0xb8;
	[tilespmem:$0x18400] =	vst v63  }
0x28c: {  	s7 =	simm.s32 $0x16800  }
0x28d: {  	[hbm4b:s6+s2] =	stream.indirect_vreg.scatter [tilespmem:s7], [sflag:$0x4], $0x80, v3, vm1, $0xb8;
	[tilespmem:$0x18400] =	vst v63  }
0x28e: {  	v3 =	vld [tilespmem:$0x2F0];
	_ =	sdelay $0x4  }
0x28f: {  	v39 =	vshrl.u32 v3, $0x3  }
0x290: {  	v4 =	vmul.u32 $0x18, v39  }
0x291: {  	v3 =	vand.u32 $0x7, v3  }
0x292: {  	v3 =	vor.u32 v3, v4  }
0x293: {  	v4 =	vperm.xlane v3, v0;
	_ =	sdelay $0x1  }
0x294: {  	v4 =	vadd.s32 v1, v4;
	_ =	sdelay $0x1  }
0x295: {  	v3 =	vperm.xlane v3, v2;
	_ =	sdelay $0x1  }
0x296: {  	s9 =	simm.s32 $0x16C00;
	v3 =	vadd.s32 v1, v3  }
0x297: {  	[hbm4b:s4+s2] =	stream.indirect_vreg.scatter [tilespmem:s9], [sflag:$0x4], $0x80, v4, vm0, $0xb8;
	[tilespmem:$0x18400] =	vst v63  }
0x298: {  	s8 =	simm.s32 $0x17400  }
0x299: {  	[hbm4b:s6+s2] =	stream.indirect_vreg.scatter [tilespmem:s8], [sflag:$0x4], $0x80, v4, vm1, $0xb8;
	[tilespmem:$0x18400] =	vst v63  }
0x29a: {  	s7 =	simm.s32 $0x17800  }
0x29b: {  	[hbm4b:s4+s2] =	stream.indirect_vreg.scatter [tilespmem:s7], [sflag:$0x4], $0x80, v3, vm0, $0xb8;
	[tilespmem:$0x18400] =	vst v63  }
0x29c: {  	s0 =	simm.s32 $0x4;
	s8 =	simm.s32 $0x18000  }
0x29d: {  	[hbm4b:s6+s2] =	stream.indirect_vreg.scatter [tilespmem:s8], [sflag:$0x4], $0x80, v3, vm1, $0xb8;
	[tilespmem:$0x18400] =	vst v63  }
0x29e: {  	_ =	swait.ge [sflag:s0], $0xC000  }
0x29f: {  	[sflag:s0] =	ssyncset.done $0x0  }
0x2a0: {  	[sflag:s0] =	ssyncadd.s32 $0xFFFF4000  }
0x2a1: {  	v3 =	vld [tilespmem:$0x180];
	_ =	sdelay $0x4  }
0x2a2: {  	v40 =	vshrl.u32 v3, $0x3  }
0x2a3: {  	v4 =	vmul.u32 $0x18, v40  }
0x2a4: {  	v3 =	vand.u32 $0x7, v3  }
0x2a5: {  	v3 =	vor.u32 v3, v4  }
0x2a6: {  	v4 =	vperm.xlane v3, v0;
	_ =	sdelay $0x1  }
0x2a7: {  	v4 =	vadd.s32 v1, v4;
	_ =	sdelay $0x1  }
0x2a8: {  	v3 =	vperm.xlane v3, v2;
	_ =	sdelay $0x1  }
0x2a9: {  	v3 =	vadd.s32 v1, v3  }
0x2aa: {  	[tilespmem:s10], [sflag:$0x2] =	stream.indirect_vreg.gather [hbm4b:s3+s2], $0x80, v4, vm0, $0xb8;
	[tilespmem:$0x18400] =	vst v63  }
0x2ab: {  	_ = 	snop  }
0x2ac: {  	[tilespmem:s11], [sflag:$0x2] =	stream.indirect_vreg.gather [hbm4b:s5+s2], $0x80, v4, vm1, $0xb8;
	[tilespmem:$0x18400] =	vst v63  }
0x2ad: {  	_ = 	snop  }
0x2ae: {  	[tilespmem:s12], [sflag:$0x2] =	stream.indirect_vreg.gather [hbm4b:s3+s2], $0x80, v3, vm0, $0xb8;
	[tilespmem:$0x18400] =	vst v63  }
0x2af: {  	s0 =	simm.s32 $0xD800  }
0x2b0: {  	[tilespmem:s0], [sflag:$0x2] =	stream.indirect_vreg.gather [hbm4b:s5+s2], $0x80, v3, vm1, $0xb8;
	[tilespmem:$0x18400] =	vst v63  }
0x2b1: {  	v3 =	vld [tilespmem:$0x190];
	_ =	sdelay $0x4  }
0x2b2: {  	v41 =	vshrl.u32 v3, $0x3  }
0x2b3: {  	v4 =	vmul.u32 $0x18, v41  }
0x2b4: {  	v3 =	vand.u32 $0x7, v3  }
0x2b5: {  	v3 =	vor.u32 v3, v4  }
0x2b6: {  	v4 =	vperm.xlane v3, v0;
	_ =	sdelay $0x1  }
0x2b7: {  	v4 =	vadd.s32 v1, v4;
	_ =	sdelay $0x1  }
0x2b8: {  	v3 =	vperm.xlane v3, v2;
	_ =	sdelay $0x1  }
0x2b9: {  	v3 =	vadd.s32 v1, v3  }
0x2ba: {  	[tilespmem:s13], [sflag:$0x2] =	stream.indirect_vreg.gather [hbm4b:s3+s2], $0x80, v4, vm0, $0xb8;
	[tilespmem:$0x18400] =	vst v63  }
0x2bb: {  	_ = 	snop  }
0x2bc: {  	[tilespmem:s14], [sflag:$0x2] =	stream.indirect_vreg.gather [hbm4b:s5+s2], $0x80, v4, vm1, $0xb8;
	[tilespmem:$0x18400] =	vst v63  }
0x2bd: {  	_ = 	snop  }
0x2be: {  	[tilespmem:s15], [sflag:$0x2] =	stream.indirect_vreg.gather [hbm4b:s3+s2], $0x80, v3, vm0, $0xb8;
	[tilespmem:$0x18400] =	vst v63  }
0x2bf: {  	s0 =	simm.s32 $0xF000  }
0x2c0: {  	[tilespmem:s0], [sflag:$0x2] =	stream.indirect_vreg.gather [hbm4b:s5+s2], $0x80, v3, vm1, $0xb8;
	[tilespmem:$0x18400] =	vst v63  }
0x2c1: {  	v3 =	vld [tilespmem:$0x1A0];
	_ =	sdelay $0x4  }
0x2c2: {  	v42 =	vshrl.u32 v3, $0x3  }
0x2c3: {  	v4 =	vmul.u32 $0x18, v42  }
0x2c4: {  	v3 =	vand.u32 $0x7, v3  }
0x2c5: {  	v3 =	vor.u32 v3, v4  }
0x2c6: {  	v4 =	vperm.xlane v3, v0;
	_ =	sdelay $0x1  }
0x2c7: {  	v4 =	vadd.s32 v1, v4;
	_ =	sdelay $0x1  }
0x2c8: {  	v3 =	vperm.xlane v3, v2;
	_ =	sdelay $0x1  }
0x2c9: {  	v3 =	vadd.s32 v1, v3  }
0x2ca: {  	[tilespmem:s16], [sflag:$0x2] =	stream.indirect_vreg.gather [hbm4b:s3+s2], $0x80, v4, vm0, $0xb8;
	[tilespmem:$0x18400] =	vst v63  }
0x2cb: {  	_ = 	snop  }
0x2cc: {  	[tilespmem:s17], [sflag:$0x2] =	stream.indirect_vreg.gather [hbm4b:s5+s2], $0x80, v4, vm1, $0xb8;
	[tilespmem:$0x18400] =	vst v63  }
0x2cd: {  	_ = 	snop  }
0x2ce: {  	[tilespmem:s18], [sflag:$0x2] =	stream.indirect_vreg.gather [hbm4b:s3+s2], $0x80, v3, vm0, $0xb8;
	[tilespmem:$0x18400] =	vst v63  }
0x2cf: {  	s0 =	simm.s32 $0x10800  }
0x2d0: {  	[tilespmem:s0], [sflag:$0x2] =	stream.indirect_vreg.gather [hbm4b:s5+s2], $0x80, v3, vm1, $0xb8;
	[tilespmem:$0x18400] =	vst v63  }
0x2d1: {  	v3 =	vld [tilespmem:$0x1B0];
	_ =	sdelay $0x4  }
0x2d2: {  	v43 =	vshrl.u32 v3, $0x3  }
0x2d3: {  	v4 =	vmul.u32 $0x18, v43  }
0x2d4: {  	v3 =	vand.u32 $0x7, v3  }
0x2d5: {  	v3 =	vor.u32 v3, v4  }
0x2d6: {  	v4 =	vperm.xlane v3, v0;
	_ =	sdelay $0x1  }
0x2d7: {  	v4 =	vadd.s32 v1, v4;
	_ =	sdelay $0x1  }
0x2d8: {  	v3 =	vperm.xlane v3, v2;
	_ =	sdelay $0x1  }
0x2d9: {  	v3 =	vadd.s32 v1, v3  }
0x2da: {  	[tilespmem:s19], [sflag:$0x2] =	stream.indirect_vreg.gather [hbm4b:s3+s2], $0x80, v4, vm0, $0xb8;
	[tilespmem:$0x18400] =	vst v63  }
0x2db: {  	_ = 	snop  }
0x2dc: {  	[tilespmem:s20], [sflag:$0x2] =	stream.indirect_vreg.gather [hbm4b:s5+s2], $0x80, v4, vm1, $0xb8;
	[tilespmem:$0x18400] =	vst v63  }
0x2dd: {  	_ = 	snop  }
0x2de: {  	[tilespmem:s21], [sflag:$0x2] =	stream.indirect_vreg.gather [hbm4b:s3+s2], $0x80, v3, vm0, $0xb8;
	[tilespmem:$0x18400] =	vst v63  }
0x2df: {  	s0 =	simm.s32 $0x12000  }
0x2e0: {  	[tilespmem:s0], [sflag:$0x2] =	stream.indirect_vreg.gather [hbm4b:s5+s2], $0x80, v3, vm1, $0xb8;
	[tilespmem:$0x18400] =	vst v63  }
0x2e1: {  	v3 =	vld [tilespmem:$0x1C0];
	_ =	sdelay $0x4  }
0x2e2: {  	v44 =	vshrl.u32 v3, $0x3  }
0x2e3: {  	v4 =	vmul.u32 $0x18, v44  }
0x2e4: {  	v3 =	vand.u32 $0x7, v3  }
0x2e5: {  	v3 =	vor.u32 v3, v4  }
0x2e6: {  	v4 =	vperm.xlane v3, v0;
	_ =	sdelay $0x1  }
0x2e7: {  	v4 =	vadd.s32 v1, v4;
	_ =	sdelay $0x1  }
0x2e8: {  	v3 =	vperm.xlane v3, v2;
	_ =	sdelay $0x1  }
0x2e9: {  	v3 =	vadd.s32 v1, v3  }
0x2ea: {  	[tilespmem:s22], [sflag:$0x2] =	stream.indirect_vreg.gather [hbm4b:s3+s2], $0x80, v4, vm0, $0xb8;
	[tilespmem:$0x18400] =	vst v63  }
0x2eb: {  	_ = 	snop  }
0x2ec: {  	[tilespmem:s23], [sflag:$0x2] =	stream.indirect_vreg.gather [hbm4b:s5+s2], $0x80, v4, vm1, $0xb8;
	[tilespmem:$0x18400] =	vst v63  }
0x2ed: {  	_ = 	snop  }
0x2ee: {  	[tilespmem:s24], [sflag:$0x2] =	stream.indirect_vreg.gather [hbm4b:s3+s2], $0x80, v3, vm0, $0xb8;
	[tilespmem:$0x18400] =	vst v63  }
0x2ef: {  	s0 =	simm.s32 $0x13800  }
0x2f0: {  	[tilespmem:s0], [sflag:$0x2] =	stream.indirect_vreg.gather [hbm4b:s5+s2], $0x80, v3, vm1, $0xb8;
	[tilespmem:$0x18400] =	vst v63  }
0x2f1: {  	v3 =	vld [tilespmem:$0x1D0];
	_ =	sdelay $0x4  }
0x2f2: {  	v45 =	vshrl.u32 v3, $0x3  }
0x2f3: {  	v4 =	vmul.u32 $0x18, v45  }
0x2f4: {  	v3 =	vand.u32 $0x7, v3  }
0x2f5: {  	v3 =	vor.u32 v3, v4  }
0x2f6: {  	v4 =	vperm.xlane v3, v0;
	_ =	sdelay $0x1  }
0x2f7: {  	v4 =	vadd.s32 v1, v4;
	_ =	sdelay $0x1  }
0x2f8: {  	v3 =	vperm.xlane v3, v2;
	_ =	sdelay $0x1  }
0x2f9: {  	v3 =	vadd.s32 v1, v3  }
0x2fa: {  	[tilespmem:s25], [sflag:$0x2] =	stream.indirect_vreg.gather [hbm4b:s3+s2], $0x80, v4, vm0, $0xb8;
	[tilespmem:$0x18400] =	vst v63  }
0x2fb: {  	_ = 	snop  }
0x2fc: {  	[tilespmem:s26], [sflag:$0x2] =	stream.indirect_vreg.gather [hbm4b:s5+s2], $0x80, v4, vm1, $0xb8;
	[tilespmem:$0x18400] =	vst v63  }
0x2fd: {  	_ = 	snop  }
0x2fe: {  	[tilespmem:s28], [sflag:$0x2] =	stream.indirect_vreg.gather [hbm4b:s3+s2], $0x80, v3, vm0, $0xb8;
	[tilespmem:$0x18400] =	vst v63  }
0x2ff: {  	s0 =	simm.s32 $0x15000  }
0x300: {  	[tilespmem:s0], [sflag:$0x2] =	stream.indirect_vreg.gather [hbm4b:s5+s2], $0x80, v3, vm1, $0xb8;
	[tilespmem:$0x18400] =	vst v63  }
0x301: {  	v3 =	vld [tilespmem:$0x1E0];
	_ =	sdelay $0x4  }
0x302: {  	v46 =	vshrl.u32 v3, $0x3  }
0x303: {  	v4 =	vmul.u32 $0x18, v46  }
0x304: {  	v3 =	vand.u32 $0x7, v3  }
0x305: {  	v3 =	vor.u32 v3, v4  }
0x306: {  	v4 =	vperm.xlane v3, v0;
	_ =	sdelay $0x1  }
0x307: {  	v4 =	vadd.s32 v1, v4;
	_ =	sdelay $0x1  }
0x308: {  	v3 =	vperm.xlane v3, v2;
	_ =	sdelay $0x1  }
0x309: {  	v3 =	vadd.s32 v1, v3  }
0x30a: {  	[tilespmem:s29], [sflag:$0x2] =	stream.indirect_vreg.gather [hbm4b:s3+s2], $0x80, v4, vm0, $0xb8;
	[tilespmem:$0x18400] =	vst v63  }
0x30b: {  	_ = 	snop  }
0x30c: {  	[tilespmem:s30], [sflag:$0x2] =	stream.indirect_vreg.gather [hbm4b:s5+s2], $0x80, v4, vm1, $0xb8;
	[tilespmem:$0x18400] =	vst v63  }
0x30d: {  	_ = 	snop  }
0x30e: {  	[tilespmem:s31], [sflag:$0x2] =	stream.indirect_vreg.gather [hbm4b:s3+s2], $0x80, v3, vm0, $0xb8;
	[tilespmem:$0x18400] =	vst v63  }
0x30f: {  	s0 =	simm.s32 $0x16800  }
0x310: {  	[tilespmem:s0], [sflag:$0x2] =	stream.indirect_vreg.gather [hbm4b:s5+s2], $0x80, v3, vm1, $0xb8;
	[tilespmem:$0x18400] =	vst v63  }
0x311: {  	v3 =	vld [tilespmem:$0x1F0];
	_ =	sdelay $0x4  }
0x312: {  	v47 =	vshrl.u32 v3, $0x3  }
0x313: {  	v4 =	vmul.u32 $0x18, v47  }
0x314: {  	v3 =	vand.u32 $0x7, v3  }
0x315: {  	v3 =	vor.u32 v3, v4  }
0x316: {  	v4 =	vperm.xlane v3, v0;
	_ =	sdelay $0x1  }
0x317: {  	v4 =	vadd.s32 v1, v4;
	_ =	sdelay $0x1  }
0x318: {  	v3 =	vperm.xlane v3, v2;
	_ =	sdelay $0x1  }
0x319: {  	v3 =	vadd.s32 v1, v3  }
0x31a: {  	[tilespmem:s9], [sflag:$0x2] =	stream.indirect_vreg.gather [hbm4b:s3+s2], $0x80, v4, vm0, $0xb8;
	[tilespmem:$0x18400] =	vst v63  }
0x31b: {  	s9 =	simm.s32 $0x17400  }
0x31c: {  	[tilespmem:s9], [sflag:$0x2] =	stream.indirect_vreg.gather [hbm4b:s5+s2], $0x80, v4, vm1, $0xb8;
	[tilespmem:$0x18400] =	vst v63  }
0x31d: {  	_ = 	snop  }
0x31e: {  	[tilespmem:s7], [sflag:$0x2] =	stream.indirect_vreg.gather [hbm4b:s3+s2], $0x80, v3, vm0, $0xb8;
	[tilespmem:$0x18400] =	vst v63  }
0x31f: {  	_ = 	snop  }
0x320: {  	[tilespmem:s8], [sflag:$0x2] =	stream.indirect_vreg.gather [hbm4b:s5+s2], $0x80, v3, vm1, $0xb8;
	[tilespmem:$0x18400] =	vst v63  }
0x321: {  	s8 =	simm.s32 $0x1  }
0x322: {  	_ =	swait.ge [sflag:s8], $0xC000  }
0x323: {  	[sflag:s8] =	ssyncset.done $0x0  }
0x324: {  	[sflag:s8] =	ssyncadd.s32 $0xFFFF4000  }
0x325: {  	v3 =	vld [tilespmem:$0x300];
	_ =	sdelay $0x4  }
0x326: {  	v48 =	vshrl.u32 v3, $0x3  }
0x327: {  	v4 =	vmul.u32 $0x18, v48  }
0x328: {  	v3 =	vand.u32 $0x7, v3  }
0x329: {  	v3 =	vor.u32 v3, v4  }
0x32a: {  	v4 =	vperm.xlane v3, v0;
	_ =	sdelay $0x1  }
0x32b: {  	v4 =	vadd.s32 v1, v4;
	_ =	sdelay $0x1  }
0x32c: {  	v3 =	vperm.xlane v3, v2;
	_ =	sdelay $0x1  }
0x32d: {  	s8 =	simm.s32 $0x400;
	v3 =	vadd.s32 v1, v3  }
0x32e: {  	[hbm4b:s4+s2] =	stream.indirect_vreg.scatter [tilespmem:s8], [sflag:$0x3], $0x80, v4, vm0, $0xb8;
	[tilespmem:$0x18400] =	vst v63  }
0x32f: {  	s8 =	simm.s32 $0xC00  }
0x330: {  	[hbm4b:s6+s2] =	stream.indirect_vreg.scatter [tilespmem:s8], [sflag:$0x3], $0x80, v4, vm1, $0xb8;
	[tilespmem:$0x18400] =	vst v63  }
0x331: {  	s8 =	simm.s32 $0x1000  }
0x332: {  	[hbm4b:s4+s2] =	stream.indirect_vreg.scatter [tilespmem:s8], [sflag:$0x3], $0x80, v3, vm0, $0xb8;
	[tilespmem:$0x18400] =	vst v63  }
0x333: {  	s8 =	simm.s32 $0x1800  }
0x334: {  	[hbm4b:s6+s2] =	stream.indirect_vreg.scatter [tilespmem:s8], [sflag:$0x3], $0x80, v3, vm1, $0xb8;
	[tilespmem:$0x18400] =	vst v63  }
0x335: {  	v3 =	vld [tilespmem:$0x310];
	_ =	sdelay $0x4  }
0x336: {  	v49 =	vshrl.u32 v3, $0x3  }
0x337: {  	v4 =	vmul.u32 $0x18, v49  }
0x338: {  	v3 =	vand.u32 $0x7, v3  }
0x339: {  	v3 =	vor.u32 v3, v4  }
0x33a: {  	v4 =	vperm.xlane v3, v0;
	_ =	sdelay $0x1  }
0x33b: {  	v4 =	vadd.s32 v1, v4;
	_ =	sdelay $0x1  }
0x33c: {  	v3 =	vperm.xlane v3, v2;
	_ =	sdelay $0x1  }
0x33d: {  	s8 =	simm.s32 $0x1C00;
	v3 =	vadd.s32 v1, v3  }
0x33e: {  	[hbm4b:s4+s2] =	stream.indirect_vreg.scatter [tilespmem:s8], [sflag:$0x3], $0x80, v4, vm0, $0xb8;
	[tilespmem:$0x18400] =	vst v63  }
0x33f: {  	s8 =	simm.s32 $0x2400  }
0x340: {  	[hbm4b:s6+s2] =	stream.indirect_vreg.scatter [tilespmem:s8], [sflag:$0x3], $0x80, v4, vm1, $0xb8;
	[tilespmem:$0x18400] =	vst v63  }
0x341: {  	s8 =	simm.s32 $0x2800  }
0x342: {  	[hbm4b:s4+s2] =	stream.indirect_vreg.scatter [tilespmem:s8], [sflag:$0x3], $0x80, v3, vm0, $0xb8;
	[tilespmem:$0x18400] =	vst v63  }
0x343: {  	s8 =	simm.s32 $0x3000  }
0x344: {  	[hbm4b:s6+s2] =	stream.indirect_vreg.scatter [tilespmem:s8], [sflag:$0x3], $0x80, v3, vm1, $0xb8;
	[tilespmem:$0x18400] =	vst v63  }
0x345: {  	v3 =	vld [tilespmem:$0x320];
	_ =	sdelay $0x4  }
0x346: {  	v50 =	vshrl.u32 v3, $0x3  }
0x347: {  	v4 =	vmul.u32 $0x18, v50  }
0x348: {  	v3 =	vand.u32 $0x7, v3  }
0x349: {  	v3 =	vor.u32 v3, v4  }
0x34a: {  	v4 =	vperm.xlane v3, v0;
	_ =	sdelay $0x1  }
0x34b: {  	v4 =	vadd.s32 v1, v4;
	_ =	sdelay $0x1  }
0x34c: {  	v3 =	vperm.xlane v3, v2;
	_ =	sdelay $0x1  }
0x34d: {  	s8 =	simm.s32 $0x3400;
	v3 =	vadd.s32 v1, v3  }
0x34e: {  	[hbm4b:s4+s2] =	stream.indirect_vreg.scatter [tilespmem:s8], [sflag:$0x3], $0x80, v4, vm0, $0xb8;
	[tilespmem:$0x18400] =	vst v63  }
0x34f: {  	s8 =	simm.s32 $0x3C00  }
0x350: {  	[hbm4b:s6+s2] =	stream.indirect_vreg.scatter [tilespmem:s8], [sflag:$0x3], $0x80, v4, vm1, $0xb8;
	[tilespmem:$0x18400] =	vst v63  }
0x351: {  	s8 =	simm.s32 $0x4000  }
0x352: {  	[hbm4b:s4+s2] =	stream.indirect_vreg.scatter [tilespmem:s8], [sflag:$0x3], $0x80, v3, vm0, $0xb8;
	[tilespmem:$0x18400] =	vst v63  }
0x353: {  	s8 =	simm.s32 $0x4800  }
0x354: {  	[hbm4b:s6+s2] =	stream.indirect_vreg.scatter [tilespmem:s8], [sflag:$0x3], $0x80, v3, vm1, $0xb8;
	[tilespmem:$0x18400] =	vst v63  }
0x355: {  	v3 =	vld [tilespmem:$0x330];
	_ =	sdelay $0x4  }
0x356: {  	v51 =	vshrl.u32 v3, $0x3  }
0x357: {  	v4 =	vmul.u32 $0x18, v51  }
0x358: {  	v3 =	vand.u32 $0x7, v3  }
0x359: {  	v3 =	vor.u32 v3, v4  }
0x35a: {  	v4 =	vperm.xlane v3, v0;
	_ =	sdelay $0x1  }
0x35b: {  	v4 =	vadd.s32 v1, v4;
	_ =	sdelay $0x1  }
0x35c: {  	v3 =	vperm.xlane v3, v2;
	_ =	sdelay $0x1  }
0x35d: {  	s8 =	simm.s32 $0x4C00;
	v3 =	vadd.s32 v1, v3  }
0x35e: {  	[hbm4b:s4+s2] =	stream.indirect_vreg.scatter [tilespmem:s8], [sflag:$0x3], $0x80, v4, vm0, $0xb8;
	[tilespmem:$0x18400] =	vst v63  }
0x35f: {  	s8 =	simm.s32 $0x5400  }
0x360: {  	[hbm4b:s6+s2] =	stream.indirect_vreg.scatter [tilespmem:s8], [sflag:$0x3], $0x80, v4, vm1, $0xb8;
	[tilespmem:$0x18400] =	vst v63  }
0x361: {  	s8 =	simm.s32 $0x5800  }
0x362: {  	[hbm4b:s4+s2] =	stream.indirect_vreg.scatter [tilespmem:s8], [sflag:$0x3], $0x80, v3, vm0, $0xb8;
	[tilespmem:$0x18400] =	vst v63  }
0x363: {  	s8 =	simm.s32 $0x6000  }
0x364: {  	[hbm4b:s6+s2] =	stream.indirect_vreg.scatter [tilespmem:s8], [sflag:$0x3], $0x80, v3, vm1, $0xb8;
	[tilespmem:$0x18400] =	vst v63  }
0x365: {  	v3 =	vld [tilespmem:$0x340];
	_ =	sdelay $0x4  }
0x366: {  	v52 =	vshrl.u32 v3, $0x3  }
0x367: {  	v4 =	vmul.u32 $0x18, v52  }
0x368: {  	v3 =	vand.u32 $0x7, v3  }
0x369: {  	v3 =	vor.u32 v3, v4  }
0x36a: {  	v4 =	vperm.xlane v3, v0;
	_ =	sdelay $0x1  }
0x36b: {  	v4 =	vadd.s32 v1, v4;
	_ =	sdelay $0x1  }
0x36c: {  	v3 =	vperm.xlane v3, v2;
	_ =	sdelay $0x1  }
0x36d: {  	s8 =	simm.s32 $0x6400;
	v3 =	vadd.s32 v1, v3  }
0x36e: {  	[hbm4b:s4+s2] =	stream.indirect_vreg.scatter [tilespmem:s8], [sflag:$0x3], $0x80, v4, vm0, $0xb8;
	[tilespmem:$0x18400] =	vst v63  }
0x36f: {  	s8 =	simm.s32 $0x6C00  }
0x370: {  	[hbm4b:s6+s2] =	stream.indirect_vreg.scatter [tilespmem:s8], [sflag:$0x3], $0x80, v4, vm1, $0xb8;
	[tilespmem:$0x18400] =	vst v63  }
0x371: {  	s8 =	simm.s32 $0x7000  }
0x372: {  	[hbm4b:s4+s2] =	stream.indirect_vreg.scatter [tilespmem:s8], [sflag:$0x3], $0x80, v3, vm0, $0xb8;
	[tilespmem:$0x18400] =	vst v63  }
0x373: {  	s8 =	simm.s32 $0x7800  }
0x374: {  	[hbm4b:s6+s2] =	stream.indirect_vreg.scatter [tilespmem:s8], [sflag:$0x3], $0x80, v3, vm1, $0xb8;
	[tilespmem:$0x18400] =	vst v63  }
0x375: {  	v3 =	vld [tilespmem:$0x350];
	_ =	sdelay $0x4  }
0x376: {  	v53 =	vshrl.u32 v3, $0x3  }
0x377: {  	v4 =	vmul.u32 $0x18, v53  }
0x378: {  	v3 =	vand.u32 $0x7, v3  }
0x379: {  	v3 =	vor.u32 v3, v4  }
0x37a: {  	v4 =	vperm.xlane v3, v0;
	_ =	sdelay $0x1  }
0x37b: {  	v4 =	vadd.s32 v1, v4;
	_ =	sdelay $0x1  }
0x37c: {  	v3 =	vperm.xlane v3, v2;
	_ =	sdelay $0x1  }
0x37d: {  	s8 =	simm.s32 $0x7C00;
	v3 =	vadd.s32 v1, v3  }
0x37e: {  	[hbm4b:s4+s2] =	stream.indirect_vreg.scatter [tilespmem:s8], [sflag:$0x3], $0x80, v4, vm0, $0xb8;
	[tilespmem:$0x18400] =	vst v63  }
0x37f: {  	s8 =	simm.s32 $0x8400  }
0x380: {  	[hbm4b:s6+s2] =	stream.indirect_vreg.scatter [tilespmem:s8], [sflag:$0x3], $0x80, v4, vm1, $0xb8;
	[tilespmem:$0x18400] =	vst v63  }
0x381: {  	s8 =	simm.s32 $0x8800  }
0x382: {  	[hbm4b:s4+s2] =	stream.indirect_vreg.scatter [tilespmem:s8], [sflag:$0x3], $0x80, v3, vm0, $0xb8;
	[tilespmem:$0x18400] =	vst v63  }
0x383: {  	s8 =	simm.s32 $0x9000  }
0x384: {  	[hbm4b:s6+s2] =	stream.indirect_vreg.scatter [tilespmem:s8], [sflag:$0x3], $0x80, v3, vm1, $0xb8;
	[tilespmem:$0x18400] =	vst v63  }
0x385: {  	v3 =	vld [tilespmem:$0x360];
	_ =	sdelay $0x4  }
0x386: {  	v54 =	vshrl.u32 v3, $0x3  }
0x387: {  	v4 =	vmul.u32 $0x18, v54  }
0x388: {  	v3 =	vand.u32 $0x7, v3  }
0x389: {  	v3 =	vor.u32 v3, v4  }
0x38a: {  	v4 =	vperm.xlane v3, v0;
	_ =	sdelay $0x1  }
0x38b: {  	v4 =	vadd.s32 v1, v4;
	_ =	sdelay $0x1  }
0x38c: {  	v3 =	vperm.xlane v3, v2;
	_ =	sdelay $0x1  }
0x38d: {  	s8 =	simm.s32 $0x9400;
	v3 =	vadd.s32 v1, v3  }
0x38e: {  	[hbm4b:s4+s2] =	stream.indirect_vreg.scatter [tilespmem:s8], [sflag:$0x3], $0x80, v4, vm0, $0xb8;
	[tilespmem:$0x18400] =	vst v63  }
0x38f: {  	s8 =	simm.s32 $0x9C00  }
0x390: {  	[hbm4b:s6+s2] =	stream.indirect_vreg.scatter [tilespmem:s8], [sflag:$0x3], $0x80, v4, vm1, $0xb8;
	[tilespmem:$0x18400] =	vst v63  }
0x391: {  	s8 =	simm.s32 $0xA000  }
0x392: {  	[hbm4b:s4+s2] =	stream.indirect_vreg.scatter [tilespmem:s8], [sflag:$0x3], $0x80, v3, vm0, $0xb8;
	[tilespmem:$0x18400] =	vst v63  }
0x393: {  	s8 =	simm.s32 $0xA800  }
0x394: {  	[hbm4b:s6+s2] =	stream.indirect_vreg.scatter [tilespmem:s8], [sflag:$0x3], $0x80, v3, vm1, $0xb8;
	[tilespmem:$0x18400] =	vst v63  }
0x395: {  	v3 =	vld [tilespmem:$0x370];
	_ =	sdelay $0x4  }
0x396: {  	v55 =	vshrl.u32 v3, $0x3  }
0x397: {  	v4 =	vmul.u32 $0x18, v55  }
0x398: {  	v3 =	vand.u32 $0x7, v3  }
0x399: {  	v3 =	vor.u32 v3, v4  }
0x39a: {  	v4 =	vperm.xlane v3, v0;
	_ =	sdelay $0x1  }
0x39b: {  	v4 =	vadd.s32 v1, v4;
	_ =	sdelay $0x1  }
0x39c: {  	v3 =	vperm.xlane v3, v2;
	_ =	sdelay $0x1  }
0x39d: {  	s8 =	simm.s32 $0xAC00;
	v3 =	vadd.s32 v1, v3  }
0x39e: {  	[hbm4b:s4+s2] =	stream.indirect_vreg.scatter [tilespmem:s8], [sflag:$0x3], $0x80, v4, vm0, $0xb8;
	[tilespmem:$0x18400] =	vst v63  }
0x39f: {  	s8 =	simm.s32 $0xB400  }
0x3a0: {  	[hbm4b:s6+s2] =	stream.indirect_vreg.scatter [tilespmem:s8], [sflag:$0x3], $0x80, v4, vm1, $0xb8;
	[tilespmem:$0x18400] =	vst v63  }
0x3a1: {  	s8 =	simm.s32 $0xB800  }
0x3a2: {  	[hbm4b:s4+s2] =	stream.indirect_vreg.scatter [tilespmem:s8], [sflag:$0x3], $0x80, v3, vm0, $0xb8;
	[tilespmem:$0x18400] =	vst v63  }
0x3a3: {  	s8 =	simm.s32 $0xC000  }
0x3a4: {  	[hbm4b:s6+s2] =	stream.indirect_vreg.scatter [tilespmem:s8], [sflag:$0x3], $0x80, v3, vm1, $0xb8;
	[tilespmem:$0x18400] =	vst v63  }
0x3a5: {  	s8 =	simm.s32 $0x2  }
0x3a6: {  	_ =	swait.ge [sflag:s8], $0xC000  }
0x3a7: {  	[sflag:s8] =	ssyncset.done $0x0  }
0x3a8: {  	[sflag:s8] =	ssyncadd.s32 $0xFFFF4000  }
0x3a9: {  	v3 =	vld [tilespmem:$0x380];
	_ =	sdelay $0x4  }
0x3aa: {  	v56 =	vshrl.u32 v3, $0x3  }
0x3ab: {  	v4 =	vmul.u32 $0x18, v56  }
0x3ac: {  	v3 =	vand.u32 $0x7, v3  }
0x3ad: {  	v3 =	vor.u32 v3, v4  }
0x3ae: {  	v4 =	vperm.xlane v3, v0;
	_ =	sdelay $0x1  }
0x3af: {  	v4 =	vadd.s32 v1, v4;
	_ =	sdelay $0x1  }
0x3b0: {  	v3 =	vperm.xlane v3, v2;
	_ =	sdelay $0x1  }
0x3b1: {  	s8 =	simm.s32 $0xC400;
	v3 =	vadd.s32 v1, v3  }
0x3b2: {  	[hbm4b:s4+s2] =	stream.indirect_vreg.scatter [tilespmem:s8], [sflag:$0x4], $0x80, v4, vm0, $0xb8;
	[tilespmem:$0x18400] =	vst v63  }
0x3b3: {  	s11 =	simm.s32 $0xCC00  }
0x3b4: {  	[hbm4b:s6+s2] =	stream.indirect_vreg.scatter [tilespmem:s11], [sflag:$0x4], $0x80, v4, vm1, $0xb8;
	[tilespmem:$0x18400] =	vst v63  }
0x3b5: {  	s12 =	simm.s32 $0xD000  }
0x3b6: {  	[hbm4b:s4+s2] =	stream.indirect_vreg.scatter [tilespmem:s12], [sflag:$0x4], $0x80, v3, vm0, $0xb8;
	[tilespmem:$0x18400] =	vst v63  }
0x3b7: {  	s12 =	simm.s32 $0xD800  }
0x3b8: {  	[hbm4b:s6+s2] =	stream.indirect_vreg.scatter [tilespmem:s12], [sflag:$0x4], $0x80, v3, vm1, $0xb8;
	[tilespmem:$0x18400] =	vst v63  }
0x3b9: {  	v3 =	vld [tilespmem:$0x390];
	_ =	sdelay $0x4  }
0x3ba: {  	v57 =	vshrl.u32 v3, $0x3  }
0x3bb: {  	v4 =	vmul.u32 $0x18, v57  }
0x3bc: {  	v3 =	vand.u32 $0x7, v3  }
0x3bd: {  	v3 =	vor.u32 v3, v4  }
0x3be: {  	v4 =	vperm.xlane v3, v0;
	_ =	sdelay $0x1  }
0x3bf: {  	v4 =	vadd.s32 v1, v4;
	_ =	sdelay $0x1  }
0x3c0: {  	v3 =	vperm.xlane v3, v2;
	_ =	sdelay $0x1  }
0x3c1: {  	s13 =	simm.s32 $0xDC00;
	v3 =	vadd.s32 v1, v3  }
0x3c2: {  	[hbm4b:s4+s2] =	stream.indirect_vreg.scatter [tilespmem:s13], [sflag:$0x4], $0x80, v4, vm0, $0xb8;
	[tilespmem:$0x18400] =	vst v63  }
0x3c3: {  	s14 =	simm.s32 $0xE400  }
0x3c4: {  	[hbm4b:s6+s2] =	stream.indirect_vreg.scatter [tilespmem:s14], [sflag:$0x4], $0x80, v4, vm1, $0xb8;
	[tilespmem:$0x18400] =	vst v63  }
0x3c5: {  	s15 =	simm.s32 $0xE800  }
0x3c6: {  	[hbm4b:s4+s2] =	stream.indirect_vreg.scatter [tilespmem:s15], [sflag:$0x4], $0x80, v3, vm0, $0xb8;
	[tilespmem:$0x18400] =	vst v63  }
0x3c7: {  	s15 =	simm.s32 $0xF000  }
0x3c8: {  	[hbm4b:s6+s2] =	stream.indirect_vreg.scatter [tilespmem:s15], [sflag:$0x4], $0x80, v3, vm1, $0xb8;
	[tilespmem:$0x18400] =	vst v63  }
0x3c9: {  	v3 =	vld [tilespmem:$0x3A0];
	_ =	sdelay $0x4  }
0x3ca: {  	v58 =	vshrl.u32 v3, $0x3  }
0x3cb: {  	v4 =	vmul.u32 $0x18, v58  }
0x3cc: {  	v3 =	vand.u32 $0x7, v3  }
0x3cd: {  	v3 =	vor.u32 v3, v4  }
0x3ce: {  	v4 =	vperm.xlane v3, v0;
	_ =	sdelay $0x1  }
0x3cf: {  	v4 =	vadd.s32 v1, v4;
	_ =	sdelay $0x1  }
0x3d0: {  	v3 =	vperm.xlane v3, v2;
	_ =	sdelay $0x1  }
0x3d1: {  	s16 =	simm.s32 $0xF400;
	v3 =	vadd.s32 v1, v3  }
0x3d2: {  	[hbm4b:s4+s2] =	stream.indirect_vreg.scatter [tilespmem:s16], [sflag:$0x4], $0x80, v4, vm0, $0xb8;
	[tilespmem:$0x18400] =	vst v63  }
0x3d3: {  	s17 =	simm.s32 $0xFC00  }
0x3d4: {  	[hbm4b:s6+s2] =	stream.indirect_vreg.scatter [tilespmem:s17], [sflag:$0x4], $0x80, v4, vm1, $0xb8;
	[tilespmem:$0x18400] =	vst v63  }
0x3d5: {  	s18 =	simm.s32 $0x10000  }
0x3d6: {  	[hbm4b:s4+s2] =	stream.indirect_vreg.scatter [tilespmem:s18], [sflag:$0x4], $0x80, v3, vm0, $0xb8;
	[tilespmem:$0x18400] =	vst v63  }
0x3d7: {  	s18 =	simm.s32 $0x10800  }
0x3d8: {  	[hbm4b:s6+s2] =	stream.indirect_vreg.scatter [tilespmem:s18], [sflag:$0x4], $0x80, v3, vm1, $0xb8;
	[tilespmem:$0x18400] =	vst v63  }
0x3d9: {  	v3 =	vld [tilespmem:$0x3B0];
	_ =	sdelay $0x4  }
0x3da: {  	v59 =	vshrl.u32 v3, $0x3  }
0x3db: {  	v4 =	vmul.u32 $0x18, v59  }
0x3dc: {  	v3 =	vand.u32 $0x7, v3  }
0x3dd: {  	v3 =	vor.u32 v3, v4  }
0x3de: {  	v4 =	vperm.xlane v3, v0;
	_ =	sdelay $0x1  }
0x3df: {  	v4 =	vadd.s32 v1, v4;
	_ =	sdelay $0x1  }
0x3e0: {  	v3 =	vperm.xlane v3, v2;
	_ =	sdelay $0x1  }
0x3e1: {  	s19 =	simm.s32 $0x10C00;
	v3 =	vadd.s32 v1, v3  }
0x3e2: {  	[hbm4b:s4+s2] =	stream.indirect_vreg.scatter [tilespmem:s19], [sflag:$0x4], $0x80, v4, vm0, $0xb8;
	[tilespmem:$0x18400] =	vst v63  }
0x3e3: {  	s20 =	simm.s32 $0x11400  }
0x3e4: {  	[hbm4b:s6+s2] =	stream.indirect_vreg.scatter [tilespmem:s20], [sflag:$0x4], $0x80, v4, vm1, $0xb8;
	[tilespmem:$0x18400] =	vst v63  }
0x3e5: {  	s21 =	simm.s32 $0x11800  }
0x3e6: {  	[hbm4b:s4+s2] =	stream.indirect_vreg.scatter [tilespmem:s21], [sflag:$0x4], $0x80, v3, vm0, $0xb8;
	[tilespmem:$0x18400] =	vst v63  }
0x3e7: {  	s21 =	simm.s32 $0x12000  }
0x3e8: {  	[hbm4b:s6+s2] =	stream.indirect_vreg.scatter [tilespmem:s21], [sflag:$0x4], $0x80, v3, vm1, $0xb8;
	[tilespmem:$0x18400] =	vst v63  }
0x3e9: {  	v3 =	vld [tilespmem:$0x3C0];
	_ =	sdelay $0x4  }
0x3ea: {  	v60 =	vshrl.u32 v3, $0x3  }
0x3eb: {  	v4 =	vmul.u32 $0x18, v60  }
0x3ec: {  	v3 =	vand.u32 $0x7, v3  }
0x3ed: {  	v3 =	vor.u32 v3, v4  }
0x3ee: {  	v4 =	vperm.xlane v3, v0;
	_ =	sdelay $0x1  }
0x3ef: {  	v4 =	vadd.s32 v1, v4;
	_ =	sdelay $0x1  }
0x3f0: {  	v3 =	vperm.xlane v3, v2;
	_ =	sdelay $0x1  }
0x3f1: {  	s22 =	simm.s32 $0x12400;
	v3 =	vadd.s32 v1, v3  }
0x3f2: {  	[hbm4b:s4+s2] =	stream.indirect_vreg.scatter [tilespmem:s22], [sflag:$0x4], $0x80, v4, vm0, $0xb8;
	[tilespmem:$0x18400] =	vst v63  }
0x3f3: {  	s23 =	simm.s32 $0x12C00  }
0x3f4: {  	[hbm4b:s6+s2] =	stream.indirect_vreg.scatter [tilespmem:s23], [sflag:$0x4], $0x80, v4, vm1, $0xb8;
	[tilespmem:$0x18400] =	vst v63  }
0x3f5: {  	s24 =	simm.s32 $0x13000  }
0x3f6: {  	[hbm4b:s4+s2] =	stream.indirect_vreg.scatter [tilespmem:s24], [sflag:$0x4], $0x80, v3, vm0, $0xb8;
	[tilespmem:$0x18400] =	vst v63  }
0x3f7: {  	s24 =	simm.s32 $0x13800  }
0x3f8: {  	[hbm4b:s6+s2] =	stream.indirect_vreg.scatter [tilespmem:s24], [sflag:$0x4], $0x80, v3, vm1, $0xb8;
	[tilespmem:$0x18400] =	vst v63  }
0x3f9: {  	v3 =	vld [tilespmem:$0x3D0];
	_ =	sdelay $0x4  }
0x3fa: {  	v61 =	vshrl.u32 v3, $0x3  }
0x3fb: {  	v4 =	vmul.u32 $0x18, v61  }
0x3fc: {  	v3 =	vand.u32 $0x7, v3  }
0x3fd: {  	v3 =	vor.u32 v3, v4  }
0x3fe: {  	v4 =	vperm.xlane v3, v0;
	_ =	sdelay $0x1  }
0x3ff: {  	v4 =	vadd.s32 v1, v4;
	_ =	sdelay $0x1  }
0x400: {  	v3 =	vperm.xlane v3, v2;
	_ =	sdelay $0x1  }
0x401: {  	s25 =	simm.s32 $0x13C00;
	v3 =	vadd.s32 v1, v3  }
0x402: {  	[hbm4b:s4+s2] =	stream.indirect_vreg.scatter [tilespmem:s25], [sflag:$0x4], $0x80, v4, vm0, $0xb8;
	[tilespmem:$0x18400] =	vst v63  }
0x403: {  	s26 =	simm.s32 $0x14400  }
0x404: {  	[hbm4b:s6+s2] =	stream.indirect_vreg.scatter [tilespmem:s26], [sflag:$0x4], $0x80, v4, vm1, $0xb8;
	[tilespmem:$0x18400] =	vst v63  }
0x405: {  	s28 =	simm.s32 $0x14800  }
0x406: {  	[hbm4b:s4+s2] =	stream.indirect_vreg.scatter [tilespmem:s28], [sflag:$0x4], $0x80, v3, vm0, $0xb8;
	[tilespmem:$0x18400] =	vst v63  }
0x407: {  	s26 =	simm.s32 $0x15000  }
0x408: {  	[hbm4b:s6+s2] =	stream.indirect_vreg.scatter [tilespmem:s26], [sflag:$0x4], $0x80, v3, vm1, $0xb8;
	[tilespmem:$0x18400] =	vst v63  }
0x409: {  	v3 =	vld [tilespmem:$0x3E0];
	_ =	sdelay $0x4  }
0x40a: {  	v62 =	vshrl.u32 v3, $0x3  }
0x40b: {  	v4 =	vmul.u32 $0x18, v62  }
0x40c: {  	v3 =	vand.u32 $0x7, v3  }
0x40d: {  	v3 =	vor.u32 v3, v4  }
0x40e: {  	v4 =	vperm.xlane v3, v0;
	_ =	sdelay $0x1  }
0x40f: {  	v4 =	vadd.s32 v1, v4;
	_ =	sdelay $0x1  }
0x410: {  	v3 =	vperm.xlane v3, v2;
	_ =	sdelay $0x1  }
0x411: {  	s29 =	simm.s32 $0x15400;
	v3 =	vadd.s32 v1, v3  }
0x412: {  	[hbm4b:s4+s2] =	stream.indirect_vreg.scatter [tilespmem:s29], [sflag:$0x4], $0x80, v4, vm0, $0xb8;
	[tilespmem:$0x18400] =	vst v63  }
0x413: {  	s30 =	simm.s32 $0x15C00  }
0x414: {  	[hbm4b:s6+s2] =	stream.indirect_vreg.scatter [tilespmem:s30], [sflag:$0x4], $0x80, v4, vm1, $0xb8;
	[tilespmem:$0x18400] =	vst v63  }
0x415: {  	s31 =	simm.s32 $0x16000  }
0x416: {  	[hbm4b:s4+s2] =	stream.indirect_vreg.scatter [tilespmem:s31], [sflag:$0x4], $0x80, v3, vm0, $0xb8;
	[tilespmem:$0x18400] =	vst v63  }
0x417: {  	s28 =	simm.s32 $0x16800  }
0x418: {  	[hbm4b:s6+s2] =	stream.indirect_vreg.scatter [tilespmem:s28], [sflag:$0x4], $0x80, v3, vm1, $0xb8;
	[tilespmem:$0x18400] =	vst v63  }
0x419: {  	v3 =	vld [tilespmem:$0x3F0];
	_ =	sdelay $0x4  }
0x41a: {  	v63 =	vshrl.u32 v3, $0x3  }
0x41b: {  	v4 =	vmul.u32 $0x18, v63  }
0x41c: {  	v3 =	vand.u32 $0x7, v3  }
0x41d: {  	v3 =	vor.u32 v3, v4  }
0x41e: {  	v4 =	vperm.xlane v3, v0;
	_ =	sdelay $0x1  }
0x41f: {  	v4 =	vadd.s32 v1, v4;
	_ =	sdelay $0x1  }
0x420: {  	v3 =	vperm.xlane v3, v2;
	_ =	sdelay $0x1  }
0x421: {  	s10 =	simm.s32 $0x16C00;
	v3 =	vadd.s32 v1, v3  }
0x422: {  	[hbm4b:s4+s2] =	stream.indirect_vreg.scatter [tilespmem:s10], [sflag:$0x4], $0x80, v4, vm0, $0xb8;
	[tilespmem:$0x18400] =	vst v63  }
0x423: {  	s9 =	simm.s32 $0x17400  }
0x424: {  	[hbm4b:s6+s2] =	stream.indirect_vreg.scatter [tilespmem:s9], [sflag:$0x4], $0x80, v4, vm1, $0xb8;
	[tilespmem:$0x18400] =	vst v63  }
0x425: {  	s0 =	simm.s32 $0x17800  }
0x426: {  	[hbm4b:s4+s2] =	stream.indirect_vreg.scatter [tilespmem:s0], [sflag:$0x4], $0x80, v3, vm0, $0xb8;
	[tilespmem:$0x18400] =	vst v63  }
0x427: {  	s7 =	simm.s32 $0x18000;
	s29 =	simm.s32 $0x3  }
0x428: {  	[hbm4b:s6+s2] =	stream.indirect_vreg.scatter [tilespmem:s7], [sflag:$0x4], $0x80, v3, vm1, $0xb8;
	[tilespmem:$0x18400] =	vst v63  }
0x429: {  	p0 =	sne.s32 s1, $0x1;
	_ =	swait.ge [sflag:s29], $0xC000  }
.Ltmp0:
0x42a: {  	[sflag:s29] =	ssyncset.done $0x0;
	(pc) =	sbr.rel @p0 .LBB2_1-.Ltmp0, $4  }
0x42b: {  	s30 =	simm.s32 $0x4;
	[sflag:s29] =	ssyncadd.s32 $0xFFFF4000  }
0x42c: {  	_ =	swait.ge [sflag:s30], $0xC000  }
0x42d: {  	s31 =	simm.s32 $0x4;
	[sflag:s30] =	ssyncset.done $0x0  }
0x42e: {  	s1 =	sadd.s32 $0xFFFFFFFF, s1;
	[sflag:s31] =	ssyncadd.s32 $0xFFFF4000  }
0x42f: {  	_ =	sfence.sel $0x180000  }
0x430: {  	[bflag:$0x0] =	sbarrier.arrive $0xFFFF  }
0x431: {  	_ =	strace $0x9000004A  }
0x432: {  	s0 =	stileid.u32;
	[bflag:$0x2] =	sbarrier.arrive $0xFFFF  }
0x433: {  	p0 =	sne.s32 s0, $0x0;
	s0 =	rddreg [dreg:$0x2]  }
0x434: {  	s0 =	sadd.s32 @!p0 $0x100000, s0  }
0x435: {  	[sflag:s0] =	ssyncadd.tile.s32 @!p0 $0x1;
	_ =	shalt  }
.Lfunc_end2:
_tile_overlayer_lowered:
.L_overlay_start_2:
0x436: {  	(tag) =	ssettag $0x2  }
0x437: {  	s0 =	rddreg [dreg:$0x0];
	s2 =	stileid.u32  }
0x438: {  	s1 =	rddreg [dreg:$0x1];
	p0 =	sne.s32 s2, $0x0  }
0x439: {  	s3 =	rddreg [dreg:$0x2];
	[bflag:$0x3] =	sbarrier.arrive $0xFFFF;
	s2 =	simm.s32 @!p0 $0x1C05  }
0x43a: {  	[timem:s3], [sflag:s2] =	dma.local @!p0 [hbm:s0], s1  }
0x43b: {  	s0 =	simm.s32 @!p0 $0x5  }
0x43c: {  	_ =	swait.ge @!p0 [sflag:s0], s1  }
0x43d: {  	s1 =	ssub.s32 @!p0 $0x0, s1;
	[sflag:s0] =	ssyncset.done @!p0 $0x0  }
0x43e: {  	[sflag:s0] =	ssyncadd.s32 @!p0 s1  }
0x43f: {  	[bflag:$0x3] =	sbarrier.arrive $0xFFFF  }
0x440: {  	_ =	shalt  }

// kernel: scatter_offload_async_start
scs
__scs_entry_jumppad:
0x0: {  	(pc) =	sbr.rel $0x88, $3  }
0x1: {  	(tag) =	ssettag $0x0;
	lr =	simm.s32 $0x1  }
0x2: {  	[smem:$0x3F97] =	sst lr;
	_ =	strace $0xD0000000  }
0x3: {  	_ = 	snop  }
0x4: {  	_ = 	snop  }
0x5: {  	_ = 	snop  }
0x6: {  	_ = 	snop  }
0x7: {  	_ = 	snop  }
__scs_overlays_trampoline_lowered:
0x8: {  	[smem:$0x3FA6] =	sst s0  }
0x9: {  	[smem:$0x3FA7] =	sst s1  }
0xa: {  	[smem:$0x3FA8] =	sst s2  }
0xb: {  	[smem:$0x3FA9] =	sst s3  }
0xc: {  	[smem:$0x3FAA] =	sst s4  }
0xd: {  	[smem:$0x3FAB] =	sst s5  }
0xe: {  	[smem:$0x3FAC] =	sst s6  }
0xf: {  	[smem:$0x3FAD] =	sst s7  }
0x10: {  	[smem:$0x3FAE] =	sst s8  }
0x11: {  	[smem:$0x3FAF] =	sst s9;
	s0 =	simm.s32 @!p0 $0x0  }
0x12: {  	s1 =	sld [smem:$0x3F95];
	s0 =	simm.s32 @p0 $0x1  }
0x13: {  	[smem:$0x3FB0] =	sst s0;
	s0 =	simm.s32 @!p1 $0x0  }
0x14: {  	s2 =	sld [smem:$0x3F94];
	s0 =	simm.s32 @p1 $0x1  }
0x15: {  	[smem:$0x3FB1] =	sst s0;
	s0 =	simm.s32 @!p2 $0x0  }
0x16: {  	s3 =	sld [smem:$0x3FDB];
	s0 =	simm.s32 @p2 $0x1  }
0x17: {  	s4 =	simm.s32 $0x1BF5;
	[smem:$0x3FB3] =	sst s0  }
0x18: {  	s0 =	sld [smem:$0x3F96];
	_ =	swait.ge [sflag:s4], $0x0  }
0x19: {  	s7 =	sld [smem:$0x3F97]  }
0x1a: {  	s8 =	sadd.s32 $0xFFFFE003, lr  }
0x1b: {  	s9 =	sadd.s32 $0xFFFFFEF7, lr;
	s5 =	simm.s32 $0xFFFFFFFF;
	p2 =	slt.u32 s8, $0xFFFFF086  }
0x1c: {  	p1 =	slt.u32 s9, $0xF7A;
	s5 =	simm.s32 @!p2 $0x0  }
0x1d: {  	s5 =	simm.s32 @p1 $0x1;
	p0 =	seq.s32 s7, s2  }
0x1e: {  	s7 =	smul.u32 @!p0 $0xF7A, s2;
	p2 =	seq.s32 @!p0 s5, $0x0  }
0x1f: {  	s9 =	smul.u32 $0xF7A, s1;
	s8 =	simm.s32 @!p0 $0x1BF5;
	p2 =	por !p2, p0  }
0x20: {  	[sflag:s8] =	ssyncset.s32 @!p0 $0xFFFFF086;
	s6 =	sadd.s32 @!p0 s3, s7;
	s7 =	simm.s32 @!p0 $0x108  }
0x21: {  	s3 =	sadd.s32 s3, s9;
	s6 =	sadd.s32 @!p0 $0x88, s6;
	s7 =	simm.s32 @p2 $0x1082  }
0x22: {  	[simem:s7], [sflag:s8] =	dma.local @!p0 [hbm:s6], $0xF7A  }
0x23: {  	s9 =	sor.u32 $0xD0000000, s2;
	s6 =	simm.s32 $0x108;
	_ =	swait.ge @!p0 [sflag:s8], $0x0  }
0x24: {  	s3 =	sadd.s32 $0x88, s3;
	s6 =	simm.s32 @!p1 $0x1082;
	[sflag:s4] =	ssyncset.s32 $0xFFFFF086  }
0x25: {  	[simem:s6], [sflag:s4] =	dma.local [hbm:s3], $0xF7A  }
0x26: {  	[smem:$0x3F97] =	sst s1;
	(tag) =	ssettag s2;
	_ =	strace s9  }
0x27: {  	s1 =	sld [smem:$0x3FA7]  }
0x28: {  	s2 =	sld [smem:$0x3FA8]  }
0x29: {  	s4 =	sld [smem:$0x3FAA]  }
0x2a: {  	p0 =	seq.s32 s5, $0x0;
	s5 =	sld [smem:$0x3FAB]  }
0x2b: {  	s6 =	sld [smem:$0x3FAC]  }
0x2c: {  	s7 =	sld [smem:$0x3FAD]  }
0x2d: {  	s3 =	simm.s32 $0x108;
	s8 =	sld [smem:$0x3FAE]  }
0x2e: {  	s3 =	simm.s32 @!p0 $0x1082;
	s9 =	sld [smem:$0x3FAF]  }
0x2f: {  	lr =	sadd.s32 s0, s3;
	s0 =	sld [smem:$0x3FA6]  }
0x30: {  	s3 =	sld [smem:$0x3FA9]  }
0x31: {  	[smem:$0x3FB2] =	sst s10  }
0x32: {  	s10 =	sld [smem:$0x3FB0];
	_ =	sdelay $0x3  }
0x33: {  	p0 =	seq.s32 s10, $0x1;
	s10 =	sld [smem:$0x3FB2];
	_ =	sdelay $0x3  }
0x34: {  	[smem:$0x3FB2] =	sst s10  }
0x35: {  	s10 =	sld [smem:$0x3FB1];
	_ =	sdelay $0x3  }
0x36: {  	p1 =	seq.s32 s10, $0x1;
	s10 =	sld [smem:$0x3FB2];
	_ =	sdelay $0x3  }
0x37: {  	[smem:$0x3FB2] =	sst s10  }
0x38: {  	s10 =	sld [smem:$0x3FB3]  }
0x39: {  	_ = 	snop;
	(pc) =	sbr.ind lr, $3  }
0x3a: {  	_ = 	snop  }
0x3b: {  	_ = 	snop  }
0x3c: {  	p2 =	seq.s32 s10, $0x1;
	s10 =	sld [smem:$0x3FB2]  }
0x3d: {  	_ =	shalt  }
0x3e: {  	_ =	shalt  }
0x3f: {  	_ =	shalt  }
0x40: {  	_ =	shalt  }
0x41: {  	_ =	shalt  }
0x42: {  	_ =	shalt  }
0x43: {  	_ =	shalt  }
0x44: {  	_ =	shalt  }
0x45: {  	_ =	shalt  }
0x46: {  	_ =	shalt  }
0x47: {  	_ =	shalt  }
0x48: {  	_ =	shalt  }
0x49: {  	_ =	shalt  }
0x4a: {  	_ =	shalt  }
0x4b: {  	_ =	shalt  }
0x4c: {  	_ =	shalt  }
0x4d: {  	_ =	shalt  }
0x4e: {  	_ =	shalt  }
0x4f: {  	_ =	shalt  }
0x50: {  	_ =	shalt  }
0x51: {  	_ =	shalt  }
0x52: {  	_ =	shalt  }
0x53: {  	_ =	shalt  }
0x54: {  	_ =	shalt  }
0x55: {  	_ =	shalt  }
0x56: {  	_ =	shalt  }
0x57: {  	_ =	shalt  }
0x58: {  	_ =	shalt  }
0x59: {  	_ =	shalt  }
0x5a: {  	_ =	shalt  }
0x5b: {  	_ =	shalt  }
0x5c: {  	_ =	shalt  }
0x5d: {  	_ =	shalt  }
0x5e: {  	_ =	shalt  }
0x5f: {  	_ =	shalt  }
0x60: {  	_ =	shalt  }
0x61: {  	_ =	shalt  }
0x62: {  	_ =	shalt  }
0x63: {  	_ =	shalt  }
0x64: {  	_ =	shalt  }
0x65: {  	_ =	shalt  }
0x66: {  	_ =	shalt  }
0x67: {  	_ =	shalt  }
0x68: {  	_ =	shalt  }
0x69: {  	_ =	shalt  }
0x6a: {  	_ =	shalt  }
0x6b: {  	_ =	shalt  }
0x6c: {  	_ =	shalt  }
0x6d: {  	_ =	shalt  }
0x6e: {  	_ =	shalt  }
0x6f: {  	_ =	shalt  }
0x70: {  	_ =	shalt  }
0x71: {  	_ =	shalt  }
0x72: {  	_ =	shalt  }
0x73: {  	_ =	shalt  }
0x74: {  	_ =	shalt  }
0x75: {  	_ =	shalt  }
0x76: {  	_ =	shalt  }
0x77: {  	_ =	shalt  }
0x78: {  	_ =	shalt  }
0x79: {  	_ =	shalt  }
0x7a: {  	_ =	shalt  }
0x7b: {  	_ =	shalt  }
0x7c: {  	_ =	shalt  }
0x7d: {  	_ =	shalt  }
0x7e: {  	_ =	shalt  }
0x7f: {  	_ =	shalt  }
0x80: {  	_ =	shalt  }
0x81: {  	_ =	shalt  }
0x82: {  	_ =	shalt  }
0x83: {  	_ =	shalt  }
0x84: {  	_ =	shalt  }
0x85: {  	_ =	shalt  }
0x86: {  	_ =	shalt  }
0x87: {  	_ =	shalt  }
.Lfunc_end0:
.L_simem_size_0:
called_computation_lowered:
.L_overlay_start_0:
0x88: {  	s0 =	sld [smem:$0x3FD9]  }
0x89: {  	s1 =	sld [smem:$0x3FFE];
	_ =	sdelay $0x3  }
0x8a: {  	s0 =	sadd.s32 s1, s0  }
0x8b: {  	[smem:$0x3FBE] =	sst s0  }
0x8c: {  	_ = 	snop  }
0x8d: {  	s0 =	sld [smem:$0x3FD0];
	(tm) =	ssettm $0x1  }
0x8e: {  	s16 =	sld [smem:$0x3FFB];
	_ =	sdelay $0x3  }
0x8f: {  	_ =	strace s16  }
0x90: {  	s1 =	sld [smem:$0x3FFC];
	_ =	sdelay $0x3  }
0x91: {  	_ =	strace s1  }
0x92: {  	s1 =	sld [smem:$0x3FFD];
	_ =	sdelay $0x3  }
0x93: {  	_ =	strace s1  }
0x94: {  	_ =	strace $0x8FFFFFFF  }
0x95: {  	s17 =	sld [smem:$0x3FDB];
	_ =	sdelay $0x1  }
0x96: {  	s2 =	simm.s32 $_scs_section_size  }
0x97: {  	s3 =	simm.s32 $_size__tile_overlayer_lowered;
	s4 =	simm.s32 $_tile_overlayer_lowered  }
0x98: {  	s20 =	simm.s32 $0x1BFF;
	s19 =	sshll.u32 s4, $0x1;
	s1 =	sadd.s32 s2, s17  }
0x99: {  	s5 =	simm.s32 $0x0;
	s18 =	sshll.u32 s3, $0x1;
	s3 =	sadd.s32 s19, s1  }
0x9a: {  	[timem:s5], [sflag:s20] =	dma.local [hbm:s3], s18  }
0x9b: {  	_ =	swait.ge [sflag:s20], s18  }
0x9c: {  	s2 =	ssub.s32 $0x0, s18;
	[sflag:s20] =	ssyncset.done $0x0  }
0x9d: {  	[sflag:s20] =	ssyncadd.s32 s2;
	_ =	sdelay $0x1  }
0x9e: {  	s21 =	simm.s32 $0x1B8B  }
0x9f: {  	_ =	swait.ge [sflag:s21], $0x1  }
0xa0: {  	[sflag:s21] =	ssyncset.done $0x0  }
0xa1: {  	s23 =	simm.s32 $0x1B8E;
	s22 =	sld [smem:$0x3FFE];
	[sflag:s21] =	ssyncadd.s32 $0xFFFFFFFF  }
0xa2: {  	s24 =	simm.s32 $execute0_lowered;
	[smem:$0x3FD2] =	sst s23  }
0xa3: {  	s3 =	sshll.u32 s24, $0x1;
	_ =	strace $0x80000046;
	[dreg:$0x1] =	wrdreg $0xFFFFFFFF  }
0xa4: {  	s25 =	simm.s32 $_size_execute0_lowered;
	s1 =	sadd.s32 s1, s3;
	[dreg:$0x0] =	wrdreg $0x0  }
0xa5: {  	s3 =	sshll.u32 s25, $0x1;
	[dreg:$0x2] =	wrdreg s1  }
0xa6: {  	[dreg:$0x3] =	wrdreg s3  }
0xa7: {  	[dreg:$0x4] =	wrdreg $0xC0  }
0xa8: {  	_ =	task [dreg:s5], $0x5FFFF  }
0xa9: {  	[dreg:$0x1] =	wrdreg $0xFFFFFFFF  }
0xaa: {  	[dreg:$0x0] =	wrdreg $0x60  }
0xab: {  	[dreg:$0x2] =	wrdreg s22  }
0xac: {  	[dreg:$0x3] =	wrdreg s0  }
0xad: {  	[dreg:$0x4] =	wrdreg $0x9  }
0xae: {  	_ =	task.clear_ibuf [dreg:s5], $0x5FFFF;
	_ =	strace $0x90000046  }
0xaf: {  	s26 =	simm.s32 $0x9;
	_ =	strace $0x80000048  }
0xb0: {  	_ =	swait.ge [sflag:s26], $0x1  }
0xb1: {  	[sflag:s26] =	ssyncadd.s32 $0xFFFFFFFF  }
0xb2: {  	_ =	strace $0x90000048  }
0xb3: {  	_ =	sfence  }
0xb4: {  	s28 =	sld [smem:$0x0];
	_ =	sdelay $0x1  }
0xb5: {  	s29 =	srdreg.scid  }
0xb6: {  	s30 =	sshll.u32 s29, $0xD;
	s31 =	sshrl.u32 s29, $0x2  }
0xb7: {  	s2 =	sand.u32 $0x4000, s30;
	s1 =	sand.u32 $0x1, s29;
	s0 =	sadd.s32 s31, s28  }
0xb8: {  	s1 =	sor.u32 s2, s1;
	s0 =	sshll.u32 s0, $0x11  }
0xb9: {  	s0 =	sor.u32 s0, s1  }
0xba: {  	s0 =	sadd.s32 $0x8F2B, s0  }
0xbb: {  	[sflag:s0] =	ssyncadd.remote.s32 $0x1  }
0xbc: {  	_ =	sfence.sel $0xFFFF  }
0xbd: {  	[dreg:$0x0] =	wrdreg $0xFFFFFFFF;
	(pc) =	sbr.abs _section_cstart, $3  }
0xbe: {  	[dreg:$0x1] =	wrdreg $0xFFFFFFFF  }
0xbf: {  	_ =	task.clear_ibuf [dreg:s5], $0x2FFFF;
	_ =	strace $0x9FFFFFFF  }
0xc0: {  	(tm) =	ssettm $0x7FFFFFFF  }
0xc1: {  	_ =	shalt  }
tec
execute0_lowered:
.L_overlay_start_1:
0x0: {  	(tag) =	ssettag $0x1  }
0x1: {  	s2 =	rddreg [dreg:$0x0]  }
0x2: {  	s3 =	rddreg [dreg:$0x1]  }
0x3: {  	s0 =	rddreg [dreg:$0x2];
	_ =	strace $0x80000047;
	s4 =	stileid.u32  }
0x4: {  	s5 =	simm.s32 $0x3E;
	s1 =	sadd.s32 $0x1400, s2;
	p0 =	sne.s32 s4, $0x0  }
0x5: {  	[sflag:s5] =	ssyncpa.u1 $0x0;
	s6 =	simm.s32 @!p0 $0x1C3E;
	s7 =	simm.s32 @!p0 $0x0  }
0x6: {  	[spmem:s7], [sflag:s6] =	dma.local @!p0 [hbm:s1], $0x100  }
0x7: {  	s6 =	simm.s32 @!p0 $0x3E  }
0x8: {  	_ =	swait.ge @!p0 [sflag:s6], $0x100  }
0x9: {  	[sflag:s6] =	ssyncset.done @!p0 $0x0  }
0xa: {  	[sflag:s6] =	ssyncadd.s32 @!p0 $0xFFFFFF00  }
0xb: {  	s28 =	simm.s32 $0x1;
	s29 =	simm.s32 $0x2;
	[bflag:$0x0] =	sbarrier.arrive $0xFFFF  }
0xc: {  	s2 =	sadd.s32 $0x200, s2;
	s4 =	sshll.u32 s4, $0x7;
	[sflag:s5] =	ssyncpa.u1 $0x1  }
0xd: {  	s31 =	simm.s32 $0x480;
	s30 =	sadd.s32 s2, s4;
	[sflag:s28] =	ssyncpa.u1 $0x0  }
0xe: {  	s2 =	simm.s32 $0x0;
	(ifvalue) =	ssetifvalue $0x800;
	[sflag:s29] =	ssyncpa.u1 $0x0  }
0xf: {  	[tilespmem:s31], [sflag:$0x2] =	stream.linear.gather [hbm4b:s30+s2], $0x400, $0x38;
	[tilespmem:$0x1080] =	vst v63  }
0x10: {  	s4 =	sadd.s32 s3, s4;
	s3 =	simm.s32 $0xC80  }
0x11: {  	[tilespmem:s3], [sflag:$0x2] =	stream.linear.gather [hbm4b:s4+s2], $0x400, $0x38;
	[tilespmem:$0x1080] =	vst v63  }
0x12: {  	_ =	swait.ge [sflag:s29], $0x800  }
0x13: {  	[sflag:s29] =	ssyncset.done $0x0  }
0x14: {  	[sflag:s29] =	ssyncadd.s32 $0xFFFFF800  }
0x15: {  	v0 =	vld.msk [tilespmem:s31+$0x0 ss:$0x1], $0xffff;
	_ =	sdelay $0x4  }
0x16: {  	v0 =	vmin.u32 v0, $0x800;
	_ =	sdelay $0x3  }
0x17: {  	vm0 =	vmmov $0xffff;
	s5 =	simm.s32 $0x490;
	s4 =	simm.s32 $0x0  }
0x18: {  	[spmem:s2] =	stream.indirect_vreg.scatter.add.s32 [tilespmem:s3], [sflag:$0x1], $0x1, v0, vm0, $0x4038;
	[tilespmem:$0x1080] =	vst v63  }
.LBB2_1:
0x19: {  	v0 =	vld.msk [tilespmem:s5+$0x0 ss:$0x1], $0xffff;
	s4 =	sadd.s32 $0x10, s4  }
0x1a: {  	p1 =	slt.u32 s4, $0x3F0;
	_ =	sdelay $0x4  }
0x1b: {  	v0 =	vmin.u32 v0, $0x800  }
.Ltmp0:
0x1c: {  	(pc) =	sbr.rel @p1 .LBB2_1-.Ltmp0, $3  }
0x1d: {  	_ =	sdelay $0x1  }
0x1e: {  	s5 =	sadd.s32 $0x10, s5;
	s3 =	sadd.s32 $0x10, s3  }
0x1f: {  	[spmem:s2] =	stream.indirect_vreg.scatter.add.s32 [tilespmem:s3], [sflag:$0x1], $0x1, v0, vm0, $0x4038;
	[tilespmem:$0x1080] =	vst v63  }
0x20: {  	s2 =	simm.s32 $0x1  }
0x21: {  	_ =	swait.ge [sflag:s2], $0x400  }
0x22: {  	[sflag:s2] =	ssyncset.done $0x0  }
0x23: {  	[sflag:s2] =	ssyncadd.s32 $0xFFFFFC00  }
0x24: {  	_ =	sfence.sel $0x180000  }
0x25: {  	s3 =	simm.s32 $0x2;
	[bflag:$0x0] =	sbarrier.arrive $0xFFFF  }
0x26: {  	[sflag:s3] =	ssyncpa.u1 $0x1  }
0x27: {  	[sflag:s2] =	ssyncpa.u1 $0x1  }
0x28: {  	_ =	sfence.stream.spmem  }
0x29: {  	s31 =	simm.s32 $0x3D;
	[bflag:$0x0] =	sbarrier.arrive $0xFFFF  }
0x2a: {  	s2 =	simm.s32 @p0 $0x3D;
	[sflag:s31] =	ssyncpa.u1 $0x0  }
0x2b: {  	[sflag:s2] =	ssyncpa.u1 @p0 $0x1  }
0x2c: {  	[bflag:$0x0] =	sbarrier.arrive @p0 $0xFFFF  }
0x2d: {  	_ =	strace @p0 $0x90000047  }
0x2e: {  	s3 =	simm.s32 @!p0 $0x1C3D;
	s2 =	simm.s32 @!p0 $0x0;
	[bflag:$0x2] =	sbarrier.arrive @p0 $0xFFFF  }
0x2f: {  	[hbm:s1], [sflag:s3] =	dma.local @!p0 [spmem:s2], $0x100  }
0x30: {  	s1 =	simm.s32 @!p0 $0x3D  }
0x31: {  	_ =	swait.ge @!p0 [sflag:s1], $0x100  }
0x32: {  	[sflag:s1] =	ssyncset.done @!p0 $0x0  }
0x33: {  	[sflag:s1] =	ssyncadd.s32 @!p0 $0xFFFFFF00  }
0x34: {  	[sflag:s1] =	ssyncpa.u1 @!p0 $0x1  }
0x35: {  	[bflag:$0x0] =	sbarrier.arrive @!p0 $0xFFFF  }
0x36: {  	_ =	strace @!p0 $0x90000047  }
0x37: {  	s0 =	sadd.s32 @!p0 $0x100000, s0;
	[bflag:$0x2] =	sbarrier.arrive @!p0 $0xFFFF  }
0x38: {  	[sflag:s0] =	ssyncadd.tile.s32 @!p0 $0x1;
	_ =	shalt  }
.Lfunc_end2:
_tile_overlayer_lowered:
.L_overlay_start_2:
0x39: {  	(tag) =	ssettag $0x2  }
0x3a: {  	s0 =	rddreg [dreg:$0x0];
	s2 =	stileid.u32  }
0x3b: {  	s1 =	rddreg [dreg:$0x1];
	p0 =	sne.s32 s2, $0x0  }
0x3c: {  	s3 =	rddreg [dreg:$0x2];
	[bflag:$0x3] =	sbarrier.arrive $0xFFFF;
	s2 =	simm.s32 @!p0 $0x1C01  }
0x3d: {  	[timem:s3], [sflag:s2] =	dma.local @!p0 [hbm:s0], s1  }
0x3e: {  	s0 =	simm.s32 @!p0 $0x1  }
0x3f: {  	_ =	swait.ge @!p0 [sflag:s0], s1  }
0x40: {  	s1 =	ssub.s32 @!p0 $0x0, s1;
	[sflag:s0] =	ssyncset.done @!p0 $0x0  }
0x41: {  	[sflag:s0] =	ssyncadd.s32 @!p0 s1  }
0x42: {  	[bflag:$0x3] =	sbarrier.arrive $0xFFFF  }
0x43: {  	_ =	shalt  }

</sc_bundles>
